<compile_context>
chip_gen: v7x
topology: tpu7x:2x2x1
jax: 0.10.2.dev20260603
libtpu: 0.0.44.dev20260713+nightly
codegen_flags: <defaults>
</compile_context>

<pallas_src>
import functools

import jax
import jax.numpy as jnp
from jax import lax
from jax.experimental import pallas as pl
from jax.experimental.pallas import tpu as pltpu
from jax.experimental.pallas import tpu_sc as plsc

_B, _C, _H, _W = 32, 1, 512, 512
_HW = _H * _W
_N = _B * _HW
_NC, _NS, _L = 2, 16, 16
_CHUNK = 2048
_NV = _CHUNK // _L
_NCHUNK = _HW // _CHUNK


def _body(img_hbm, xc_hbm, yc_hbm, out_hbm, *scr):
    slots = (scr[0:15], scr[15:30])
    zbuf = scr[30]
    flags = scr[31]
    sem_g = scr[32:34]
    sem_xy = scr[34:36]
    sem_o = scr[36:38]
    b = lax.axis_index("s") * _NC + lax.axis_index("c")
    bbase = b * _HW
    zero16 = jnp.zeros((_L,), jnp.float32)

    def zinit(v, carry):
        zbuf[pl.ds(v << 4, _L)] = zero16
        return carry

    lax.fori_loop(0, _NV, zinit, 0)

    def fire_xy(c, s):
        xv, yv = slots[s][0], slots[s][1]
        off = bbase + c * _CHUNK
        pltpu.async_copy(xc_hbm.at[pl.ds(off, _CHUNK)], xv, sem_xy[s])
        pltpu.async_copy(yc_hbm.at[pl.ds(off, _CHUNK)], yv, sem_xy[s])

    def wait_xy(s):
        xv, yv = slots[s][0], slots[s][1]
        pltpu.make_async_copy(xc_hbm.at[pl.ds(bbase, _CHUNK)], xv, sem_xy[s]).wait()
        pltpu.make_async_copy(yc_hbm.at[pl.ds(bbase, _CHUNK)], yv, sem_xy[s]).wait()

    def stage(s):
        xv, yv, ia, ib, ic2, id2 = slots[s][0:6]
        wx0, wx1, wy0, wy1 = slots[s][10:14]

        def vec_body(v, vmax):
            o = v << 4
            x = xv[pl.ds(o, _L)]
            y = yv[pl.ds(o, _L)]
            x0i = x.astype(jnp.int32)
            y0i = y.astype(jnp.int32)
            x0c = jnp.clip(x0i, 0, _W - 1)
            x1c = jnp.clip(x0i + 1, 0, _W - 1)
            y0c = jnp.clip(y0i, 0, _H - 1)
            y1c = jnp.clip(y0i + 1, 0, _H - 1)
            ya = (y0c << 9) + bbase
            yb = (y1c << 9) + bbase
            ia[pl.ds(o, _L)] = ya + x0c
            ib[pl.ds(o, _L)] = yb + x0c
            ic2[pl.ds(o, _L)] = ya + x1c
            id2[pl.ds(o, _L)] = yb + x1c
            x0f = x0c.astype(jnp.float32)
            x1f = x1c.astype(jnp.float32)
            y0f = y0c.astype(jnp.float32)
            y1f = y1c.astype(jnp.float32)
            wx0[pl.ds(o, _L)] = x1f - x
            wx1[pl.ds(o, _L)] = x - x0f
            wy0[pl.ds(o, _L)] = y1f - y
            wy1[pl.ds(o, _L)] = y - y0f
            return jnp.maximum(vmax, (x1f - x0f) * (y1f - y0f))

        vmax = lax.fori_loop(0, _NV, vec_body, zero16)
        flags[s] = (jnp.max(vmax, axis=0) > 0.0).astype(jnp.int32)

    def fire_gather(s):
        ia, ib, ic2, id2, va, vb2, vc2, vd2 = slots[s][2:10]
        pltpu.async_copy(img_hbm.at[ia], va, sem_g[s])
        pltpu.async_copy(img_hbm.at[ib], vb2, sem_g[s])
        pltpu.async_copy(img_hbm.at[ic2], vc2, sem_g[s])
        pltpu.async_copy(img_hbm.at[id2], vd2, sem_g[s])

    def wait_gather(s):
        ia, ib, ic2, id2, va, vb2, vc2, vd2 = slots[s][2:10]
        pltpu.make_async_copy(img_hbm.at[ia], va, sem_g[s]).wait()
        pltpu.make_async_copy(img_hbm.at[ib], vb2, sem_g[s]).wait()
        pltpu.make_async_copy(img_hbm.at[ic2], vc2, sem_g[s]).wait()
        pltpu.make_async_copy(img_hbm.at[id2], vd2, sem_g[s]).wait()

    def compute_out(c, s):
        va, vb2, vc2, vd2, wx0, wx1, wy0, wy1, ov = slots[s][6:15]

        def out_body(v, carry):
            o = v << 4
            a_v = va[pl.ds(o, _L)]
            b_v = vb2[pl.ds(o, _L)]
            c_v = vc2[pl.ds(o, _L)]
            d_v = vd2[pl.ds(o, _L)]
            w0 = wy0[pl.ds(o, _L)]
            w1 = wy1[pl.ds(o, _L)]
            s0 = w0 * a_v + w1 * b_v
            s1 = w0 * c_v + w1 * d_v
            ov[pl.ds(o, _L)] = wx0[pl.ds(o, _L)] * s0 + wx1[pl.ds(o, _L)] * s1
            return carry

        lax.fori_loop(0, _NV, out_body, 0)
        pltpu.async_copy(ov, out_hbm.at[pl.ds(bbase + c * _CHUNK, _CHUNK)],
                         sem_o[s])

    def fire_zero_out(c, s):
        pltpu.async_copy(zbuf, out_hbm.at[pl.ds(bbase + c * _CHUNK, _CHUNK)],
                         sem_o[s])

    def wait_out(s):
        ov = slots[s][14]
        pltpu.make_async_copy(ov, out_hbm.at[pl.ds(bbase, _CHUNK)],
                              sem_o[s]).wait()

    for c0 in (0, 1):
        fire_xy(c0, c0)
        wait_xy(c0)
        stage(c0)

        @pl.when(flags[c0] > 0)
        def _():
            fire_gather(c0)

        fire_xy(c0 + 2, c0)

    def pair_body(g, carry):
        for s in (0, 1):
            c = 2 * g + s
            f_old = flags[s]

            @pl.when(f_old > 0)
            def _():
                wait_gather(s)

            @pl.when(g > 0)
            def _():
                wait_out(s)

            @pl.when(f_old > 0)
            def _():
                compute_out(c, s)

            @pl.when(f_old == 0)
            def _():
                fire_zero_out(c, s)

            wait_xy(s)
            stage(s)
            fire_xy((c + 4) & (_NCHUNK - 1), s)

            @pl.when(flags[s] > 0)
            def _():
                fire_gather(s)

        return carry

    lax.fori_loop(0, _NCHUNK // 2, pair_body, 0)

    for s in (0, 1):
        wait_out(s)

        @pl.when(flags[s] > 0)
        def _():
            wait_gather(s)

        wait_xy(s)


_sc_bilinear = functools.partial(
    pl.kernel,
    out_type=jax.ShapeDtypeStruct((_N,), jnp.float32),
    mesh=plsc.VectorSubcoreMesh(
        core_axis_name="c", subcore_axis_name="s",
        num_cores=_NC, num_subcores=_NS),
    compiler_params=pltpu.CompilerParams(needs_layout_passes=False),
    scratch_types=(
        ([pltpu.VMEM((_CHUNK,), jnp.float32)] * 2 +
         [pltpu.VMEM((_CHUNK,), jnp.int32)] * 4 +
         [pltpu.VMEM((_CHUNK,), jnp.float32)] * 9) * 2 +
        [pltpu.VMEM((_CHUNK,), jnp.float32)] +
        [pltpu.SMEM((2,), jnp.int32)] +
        [pltpu.SemaphoreType.DMA] * 6
    ),
)(_body)


def _make_grids():
    x_linspace = jnp.linspace(-1.0, 1.0, _W)
    y_linspace = jnp.linspace(-1.0, 1.0, _H)
    x_c, y_c = jnp.meshgrid(x_linspace, y_linspace, indexing='ij')
    ones = jnp.ones_like(x_c.reshape(-1))
    grid = jnp.concatenate([x_c.reshape(-1), y_c.reshape(-1), ones], axis=0)
    grids = jnp.tile(grid.reshape(-1), (_B,))
    return grids.reshape(_B, 3, _HW)


def kernel(X, transformation):
    transformations = transformation.reshape(_B, 2, 3)
    grids = _make_grids().astype(jnp.float32)
    sg = jnp.einsum('bij,bjk->bik', transformations, grids)
    x = 0.5 * (sg[:, 0, :].reshape(-1).astype(jnp.float32) + 1.0) * _W
    y = 0.5 * (sg[:, 1, :].reshape(-1).astype(jnp.float32) + 1.0) * _H
    out_flat = _sc_bilinear(X.reshape(_N), x, y)
    return out_flat.reshape(_B, _C, _H, _W)

# --- scband reference (transcript-rebuilt; emitter-appended) ---
"""Pipeline reference for scband-bilinear-interpolation-75247827026762 (READ-ONLY COPY).

The authoritative reference and input builder live on the scoring server;
editing this copy changes nothing except your own understanding.
"""

import jax, jax.numpy as jnp
import numpy as np

OUTPUT_SIZE = (512, 512)
B, C, H, W = 32, 1, 512, 512

def _make_regular_grids(batch_size, height, width):
    x_linspace = jnp.linspace(-1.0, 1.0, width)
    y_linspace = jnp.linspace(-1.0, 1.0, height)
    x_coordinates, y_coordinates = jnp.meshgrid(x_linspace, y_linspace, indexing='ij')
    x_coordinates = x_coordinates.reshape(-1)
    y_coordinates = y_coordinates.reshape(-1)
    ones = jnp.ones_like(x_coordinates)
    grid = jnp.concatenate([x_coordinates, y_coordinates, ones], axis=0)
    grids = jnp.tile(grid.reshape(-1), (batch_size,))
    return grids.reshape(batch_size, 3, height * width)

def _interpolate(image, sampled_grids, output_size):
    batch_size = image.shape[0]
    num_channels = image.shape[1]
    height = image.shape[2]
    width = image.shape[3]
    x = sampled_grids[:, 0, :].reshape(-1).astype(jnp.float32)
    y = sampled_grids[:, 1, :].reshape(-1).astype(jnp.float32)
    x = 0.5 * (x + 1.0) * width
    y = 0.5 * (y + 1.0) * height
    x0 = x.astype(jnp.int32)
    x1 = x0 + 1
    y0 = y.astype(jnp.int32)
    y1 = y0 + 1
    max_x = width - 1
    max_y = height - 1
    x0 = jnp.clip(x0, 0, max_x)
    x1 = jnp.clip(x1, 0, max_x)
    y0 = jnp.clip(y0, 0, max_y)
    y1 = jnp.clip(y1, 0, max_y)
    flat_output_size = output_size[0] * output_size[1]
    base = jnp.repeat(jnp.arange(batch_size, dtype=jnp.int32) * (height * width), flat_output_size)
    base_y0 = base + y0 * width
    base_y1 = base + y1 * width
    indices_a = base_y0 + x0
    indices_b = base_y1 + x0
    indices_c = base_y0 + x1
    indices_d = base_y1 + x1
    flat_image = image.reshape(-1).astype(jnp.float32)
    pixel_values_a = jnp.take(flat_image, indices_a).reshape(-1, 1)
    pixel_values_b = jnp.take(flat_image, indices_b).reshape(-1, 1)
    pixel_values_c = jnp.take(flat_image, indices_c).reshape(-1, 1)
    pixel_values_d = jnp.take(flat_image, indices_d).reshape(-1, 1)
    x0f = x0.astype(jnp.float32)
    x1f = x1.astype(jnp.float32)
    y0f = y0.astype(jnp.float32)
    y1f = y1.astype(jnp.float32)
    area_a = ((x1f - x) * (y1f - y)).reshape(-1, 1)
    area_b = ((x1f - x) * (y - y0f)).reshape(-1, 1)
    area_c = ((x - x0f) * (y1f - y)).reshape(-1, 1)
    area_d = ((x - x0f) * (y - y0f)).reshape(-1, 1)
    values_a = area_a * pixel_values_a
    values_b = area_b * pixel_values_b
    values_c = area_c * pixel_values_c
    values_d = area_d * pixel_values_d
    return values_a + values_b + values_c + values_d

def setup_inputs(seed: int = 0) -> dict:
    key = jax.random.key(seed)
    k1, k2 = jax.random.split(key)
    X = jax.random.normal(k1, (B, C, H, W), dtype=jnp.float32)
    transformation = jax.random.normal(k2, (B, 6), dtype=jnp.float32)
    return {"X": X, "transformation": transformation}

def reference(X, transformation):
    batch_size = X.shape[0]
    num_channels = X.shape[1]
    transformations = transformation.reshape(batch_size, 2, 3)
    regular_grids = _make_regular_grids(batch_size, OUTPUT_SIZE[0], OUTPUT_SIZE[1]).astype(jnp.float32)
    sampled_grids = jnp.einsum('bij,bjk->bik', transformations, regular_grids)
    interpolated_image = _interpolate(X, sampled_grids, OUTPUT_SIZE)
    new_shape = (batch_size, num_channels, OUTPUT_SIZE[0], OUTPUT_SIZE[1])
    return interpolated_image.reshape(new_shape)

if __name__ == "__main__":
    import jax
    _d = setup_inputs()
    print(jax.jit(kernel)(*tuple(_d.values())))

</pallas_src>

<mosaic_0001>
#map = affine_map<(d0, d1) -> (0)>
module attributes {stable_mosaic.version = 14 : i64} {
  func.func @_body(%arg0: i32, %arg1: i32, %arg2: memref<8388608xf32, #tpu.memory_space<hbm>>, %arg3: memref<8388608xf32, #tpu.memory_space<hbm>>, %arg4: memref<8388608xf32, #tpu.memory_space<hbm>>, %arg5: memref<8388608xf32, #tpu.memory_space<hbm>>, %arg6: memref<2048xf32, #tpu.memory_space<vmem>>, %arg7: memref<2048xf32, #tpu.memory_space<vmem>>, %arg8: memref<2048xi32, #tpu.memory_space<vmem>>, %arg9: memref<2048xi32, #tpu.memory_space<vmem>>, %arg10: memref<2048xi32, #tpu.memory_space<vmem>>, %arg11: memref<2048xi32, #tpu.memory_space<vmem>>, %arg12: memref<2048xf32, #tpu.memory_space<vmem>>, %arg13: memref<2048xf32, #tpu.memory_space<vmem>>, %arg14: memref<2048xf32, #tpu.memory_space<vmem>>, %arg15: memref<2048xf32, #tpu.memory_space<vmem>>, %arg16: memref<2048xf32, #tpu.memory_space<vmem>>, %arg17: memref<2048xf32, #tpu.memory_space<vmem>>, %arg18: memref<2048xf32, #tpu.memory_space<vmem>>, %arg19: memref<2048xf32, #tpu.memory_space<vmem>>, %arg20: memref<2048xf32, #tpu.memory_space<vmem>>, %arg21: memref<2048xf32, #tpu.memory_space<vmem>>, %arg22: memref<2048xf32, #tpu.memory_space<vmem>>, %arg23: memref<2048xi32, #tpu.memory_space<vmem>>, %arg24: memref<2048xi32, #tpu.memory_space<vmem>>, %arg25: memref<2048xi32, #tpu.memory_space<vmem>>, %arg26: memref<2048xi32, #tpu.memory_space<vmem>>, %arg27: memref<2048xf32, #tpu.memory_space<vmem>>, %arg28: memref<2048xf32, #tpu.memory_space<vmem>>, %arg29: memref<2048xf32, #tpu.memory_space<vmem>>, %arg30: memref<2048xf32, #tpu.memory_space<vmem>>, %arg31: memref<2048xf32, #tpu.memory_space<vmem>>, %arg32: memref<2048xf32, #tpu.memory_space<vmem>>, %arg33: memref<2048xf32, #tpu.memory_space<vmem>>, %arg34: memref<2048xf32, #tpu.memory_space<vmem>>, %arg35: memref<2048xf32, #tpu.memory_space<vmem>>, %arg36: memref<2048xf32, #tpu.memory_space<vmem>>, %arg37: memref<2xi32, #tpu.memory_space<smem>>, %arg38: memref<!tpu.dma_semaphore, #tpu.memory_space<semaphore_mem>>, %arg39: memref<!tpu.dma_semaphore, #tpu.memory_space<semaphore_mem>>, %arg40: memref<!tpu.dma_semaphore, #tpu.memory_space<semaphore_mem>>, %arg41: memref<!tpu.dma_semaphore, #tpu.memory_space<semaphore_mem>>, %arg42: memref<!tpu.dma_semaphore, #tpu.memory_space<semaphore_mem>>, %arg43: memref<!tpu.dma_semaphore, #tpu.memory_space<semaphore_mem>>) attributes {dimension_semantics = [#tpu.dimension_semantics<core_parallel>, #tpu.dimension_semantics<subcore_parallel>], iteration_bounds = array<i64: 2, 16>, scalar_prefetch = 0 : i64, scratch_operands = 38 : i64, tpu.core_type = #tpu.core_type<sc_vector_subcore>, window_params = [{transform_indices = #map}, {transform_indices = #map}, {transform_indices = #map}, {transform_indices = #map}]} {
    %mul3A = arith.constant 2 : i32
    %mul3A_0 = arith.muli %arg1, %mul3A : i32
    %add3A = arith.addi %mul3A_0, %arg0 : i32
    %mul3A_1 = arith.constant 262144 : i32
    %mul3A_2 = arith.muli %add3A, %mul3A_1 : i32
    %broadcast_in_dim3A = arith.constant 0.000000e+00 : f32
    %broadcast_in_dim3A_3 = vector.broadcast %broadcast_in_dim3A : f32 to vector<16xf32>
    %scan3A = arith.constant 0 : i32
    %scan3A_4 = arith.constant 0 : i32
    %scan3A_5 = arith.constant 128 : i32
    %scan3A_6 = arith.addi %scan3A_4, %scan3A_5 : i32
    %scan3A_7 = arith.constant 1 : i32
    scf.for %scan3A_115 = %scan3A_4 to %scan3A_6 step %scan3A_7  : i32 {
      %shift_left3A = arith.constant 4 : i32
      %shift_left3A_116 = arith.shli %scan3A_115, %shift_left3A : i32
      %swap3A_117 = arith.index_cast %shift_left3A_116 : i32 to index
      %swap3A_118 = tpu.vector_load %arg36[%swap3A_117] {strides = array<i32>} : memref<2048xf32, #tpu.memory_space<vmem>>, vector<16xf32>,
      tpu.vector_store %arg36[%swap3A_117], %broadcast_in_dim3A_3 {strides = array<i32>} : memref<2048xf32, #tpu.memory_space<vmem>>, vector<16xf32>,
    }
    %scan3A_8 = arith.constant 128 : i32
    %add3A_9 = arith.constant 0 : i32
    %add3A_10 = arith.addi %mul3A_2, %add3A_9 : i32
    %dma_start3A = tpu.memref_slice %arg3[%add3A_10] : memref<8388608xf32, #tpu.memory_space<hbm>> -> memref<2048xf32, #tpu.memory_space<hbm>>
    %dma_start3A_11 = tpu.memref_slice %arg3[%add3A_10] : memref<8388608xf32, #tpu.memory_space<hbm>> -> memref<2048xf32, #tpu.memory_space<hbm>>
    tpu.enqueue_dma source(%dma_start3A_11 : memref<2048xf32, #tpu.memory_space<hbm>>) target(%arg6 : memref<2048xf32, #tpu.memory_space<vmem>>) target_semaphore(%arg40 : memref<!tpu.dma_semaphore, #tpu.memory_space<semaphore_mem>>)
    %dma_start3A_12 = tpu.memref_slice %arg4[%add3A_10] : memref<8388608xf32, #tpu.memory_space<hbm>> -> memref<2048xf32, #tpu.memory_space<hbm>>
    %dma_start3A_13 = tpu.memref_slice %arg4[%add3A_10] : memref<8388608xf32, #tpu.memory_space<hbm>> -> memref<2048xf32, #tpu.memory_space<hbm>>
    tpu.enqueue_dma source(%dma_start3A_13 : memref<2048xf32, #tpu.memory_space<hbm>>) target(%arg7 : memref<2048xf32, #tpu.memory_space<vmem>>) target_semaphore(%arg40 : memref<!tpu.dma_semaphore, #tpu.memory_space<semaphore_mem>>)
    %dma_wait3A = tpu.memref_slice %arg3[%mul3A_2] : memref<8388608xf32, #tpu.memory_space<hbm>> -> memref<2048xf32, #tpu.memory_space<hbm>>
    %dma_wait3A_14 = tpu.memref_slice %arg3[%mul3A_2] : memref<8388608xf32, #tpu.memory_space<hbm>> -> memref<2048xf32, #tpu.memory_space<hbm>>
    tpu.wait_dma2 semaphore(%arg40 : memref<!tpu.dma_semaphore, #tpu.memory_space<semaphore_mem>>) src(%dma_wait3A_14 : memref<2048xf32, #tpu.memory_space<hbm>>) dst(%arg6 : memref<2048xf32, #tpu.memory_space<vmem>>)
    %dma_wait3A_15 = tpu.memref_slice %arg4[%mul3A_2] : memref<8388608xf32, #tpu.memory_space<hbm>> -> memref<2048xf32, #tpu.memory_space<hbm>>
    %dma_wait3A_16 = tpu.memref_slice %arg4[%mul3A_2] : memref<8388608xf32, #tpu.memory_space<hbm>> -> memref<2048xf32, #tpu.memory_space<hbm>>
    tpu.wait_dma2 semaphore(%arg40 : memref<!tpu.dma_semaphore, #tpu.memory_space<semaphore_mem>>) src(%dma_wait3A_16 : memref<2048xf32, #tpu.memory_space<hbm>>) dst(%arg7 : memref<2048xf32, #tpu.memory_space<vmem>>)
    %scan3A_17 = arith.constant 0 : i32
    %scan3A_18 = arith.constant 128 : i32
    %scan3A_19 = arith.addi %scan3A_17, %scan3A_18 : i32
    %scan3A_20 = arith.constant 1 : i32
    %scan3A_21 = scf.for %scan3A_115 = %scan3A_17 to %scan3A_19 step %scan3A_20 iter_args(%scan3A_116 = %broadcast_in_dim3A_3) -> (vector<16xf32>)  : i32 {
      %shift_left3A = arith.constant 4 : i32
      %shift_left3A_117 = arith.shli %scan3A_115, %shift_left3A : i32
      %get3A_118 = arith.index_cast %shift_left3A_117 : i32 to index
      %get3A_119 = tpu.vector_load %arg6[%get3A_118] {strides = array<i32>} : memref<2048xf32, #tpu.memory_space<vmem>>, vector<16xf32>,
      %get3A_120 = arith.index_cast %shift_left3A_117 : i32 to index
      %get3A_121 = tpu.vector_load %arg7[%get3A_120] {strides = array<i32>} : memref<2048xf32, #tpu.memory_space<vmem>>, vector<16xf32>,
      %convert_element_type3A_122 = arith.fptosi %get3A_119 : vector<16xf32> to vector<16xi32>
      %convert_element_type3A_123 = arith.fptosi %get3A_121 : vector<16xf32> to vector<16xi32>
      %jit3A = arith.constant 0 : i32
      %jit3A_124 = arith.constant 511 : i32
      %max3A = vector.broadcast %jit3A : i32 to vector<16xi32>
      %max3A_125 = arith.maxsi %max3A, %convert_element_type3A_122 : vector<16xi32>
      %min3A = vector.broadcast %jit3A_124 : i32 to vector<16xi32>
      %min3A_126 = arith.minsi %min3A, %max3A_125 : vector<16xi32>
      %add3A_127 = arith.constant 1 : i32
      %add3A_128 = vector.broadcast %add3A_127 : i32 to vector<16xi32>
      %add3A_129 = arith.addi %convert_element_type3A_122, %add3A_128 : vector<16xi32>
      %jit3A_130 = arith.constant 0 : i32
      %jit3A_131 = arith.constant 511 : i32
      %max3A_132 = vector.broadcast %jit3A_130 : i32 to vector<16xi32>
      %max3A_133 = arith.maxsi %max3A_132, %add3A_129 : vector<16xi32>
      %min3A_134 = vector.broadcast %jit3A_131 : i32 to vector<16xi32>
      %min3A_135 = arith.minsi %min3A_134, %max3A_133 : vector<16xi32>
      %jit3A_136 = arith.constant 0 : i32
      %jit3A_137 = arith.constant 511 : i32
      %max3A_138 = vector.broadcast %jit3A_136 : i32 to vector<16xi32>
      %max3A_139 = arith.maxsi %max3A_138, %convert_element_type3A_123 : vector<16xi32>
      %min3A_140 = vector.broadcast %jit3A_137 : i32 to vector<16xi32>
      %min3A_141 = arith.minsi %min3A_140, %max3A_139 : vector<16xi32>
      %add3A_142 = arith.constant 1 : i32
      %add3A_143 = vector.broadcast %add3A_142 : i32 to vector<16xi32>
      %add3A_144 = arith.addi %convert_element_type3A_123, %add3A_143 : vector<16xi32>
      %jit3A_145 = arith.constant 0 : i32
      %jit3A_146 = arith.constant 511 : i32
      %max3A_147 = vector.broadcast %jit3A_145 : i32 to vector<16xi32>
      %max3A_148 = arith.maxsi %max3A_147, %add3A_144 : vector<16xi32>
      %min3A_149 = vector.broadcast %jit3A_146 : i32 to vector<16xi32>
      %min3A_150 = arith.minsi %min3A_149, %max3A_148 : vector<16xi32>
      %shift_left3A_151 = arith.constant 9 : i32
      %shift_left3A_152 = vector.broadcast %shift_left3A_151 : i32 to vector<16xi32>
      %shift_left3A_153 = arith.shli %min3A_141, %shift_left3A_152 : vector<16xi32>
      %add3A_154 = vector.broadcast %mul3A_2 : i32 to vector<16xi32>
      %add3A_155 = arith.addi %shift_left3A_153, %add3A_154 : vector<16xi32>
      %shift_left3A_156 = arith.constant 9 : i32
      %shift_left3A_157 = vector.broadcast %shift_left3A_156 : i32 to vector<16xi32>
      %shift_left3A_158 = arith.shli %min3A_150, %shift_left3A_157 : vector<16xi32>
      %add3A_159 = vector.broadcast %mul3A_2 : i32 to vector<16xi32>
      %add3A_160 = arith.addi %shift_left3A_158, %add3A_159 : vector<16xi32>
      %add3A_161 = arith.addi %add3A_155, %min3A_126 : vector<16xi32>
      %swap3A_162 = arith.index_cast %shift_left3A_117 : i32 to index
      %swap3A_163 = tpu.vector_load %arg8[%swap3A_162] {strides = array<i32>} : memref<2048xi32, #tpu.memory_space<vmem>>, vector<16xi32>,
      tpu.vector_store %arg8[%swap3A_162], %add3A_161 {strides = array<i32>} : memref<2048xi32, #tpu.memory_space<vmem>>, vector<16xi32>,
      %add3A_164 = arith.addi %add3A_160, %min3A_126 : vector<16xi32>
      %swap3A_165 = arith.index_cast %shift_left3A_117 : i32 to index
      %swap3A_166 = tpu.vector_load %arg9[%swap3A_165] {strides = array<i32>} : memref<2048xi32, #tpu.memory_space<vmem>>, vector<16xi32>,
      tpu.vector_store %arg9[%swap3A_165], %add3A_164 {strides = array<i32>} : memref<2048xi32, #tpu.memory_space<vmem>>, vector<16xi32>,
      %add3A_167 = arith.addi %add3A_155, %min3A_135 : vector<16xi32>
      %swap3A_168 = arith.index_cast %shift_left3A_117 : i32 to index
      %swap3A_169 = tpu.vector_load %arg10[%swap3A_168] {strides = array<i32>} : memref<2048xi32, #tpu.memory_space<vmem>>, vector<16xi32>,
      tpu.vector_store %arg10[%swap3A_168], %add3A_167 {strides = array<i32>} : memref<2048xi32, #tpu.memory_space<vmem>>, vector<16xi32>,
      %add3A_170 = arith.addi %add3A_160, %min3A_135 : vector<16xi32>
      %swap3A_171 = arith.index_cast %shift_left3A_117 : i32 to index
      %swap3A_172 = tpu.vector_load %arg11[%swap3A_171] {strides = array<i32>} : memref<2048xi32, #tpu.memory_space<vmem>>, vector<16xi32>,
      tpu.vector_store %arg11[%swap3A_171], %add3A_170 {strides = array<i32>} : memref<2048xi32, #tpu.memory_space<vmem>>, vector<16xi32>,
      %convert_element_type3A_173 = arith.sitofp %min3A_126 : vector<16xi32> to vector<16xf32>
      %convert_element_type3A_174 = arith.sitofp %min3A_135 : vector<16xi32> to vector<16xf32>
      %convert_element_type3A_175 = arith.sitofp %min3A_141 : vector<16xi32> to vector<16xf32>
      %convert_element_type3A_176 = arith.sitofp %min3A_150 : vector<16xi32> to vector<16xf32>
      %sub3A = arith.subf %convert_element_type3A_174, %get3A_119 : vector<16xf32>
      %swap3A_177 = arith.index_cast %shift_left3A_117 : i32 to index
      %swap3A_178 = tpu.vector_load %arg16[%swap3A_177] {strides = array<i32>} : memref<2048xf32, #tpu.memory_space<vmem>>, vector<16xf32>,
      tpu.vector_store %arg16[%swap3A_177], %sub3A {strides = array<i32>} : memref<2048xf32, #tpu.memory_space<vmem>>, vector<16xf32>,
      %sub3A_179 = arith.subf %get3A_119, %convert_element_type3A_173 : vector<16xf32>
      %swap3A_180 = arith.index_cast %shift_left3A_117 : i32 to index
      %swap3A_181 = tpu.vector_load %arg17[%swap3A_180] {strides = array<i32>} : memref<2048xf32, #tpu.memory_space<vmem>>, vector<16xf32>,
      tpu.vector_store %arg17[%swap3A_180], %sub3A_179 {strides = array<i32>} : memref<2048xf32, #tpu.memory_space<vmem>>, vector<16xf32>,
      %sub3A_182 = arith.subf %convert_element_type3A_176, %get3A_121 : vector<16xf32>
      %swap3A_183 = arith.index_cast %shift_left3A_117 : i32 to index
      %swap3A_184 = tpu.vector_load %arg18[%swap3A_183] {strides = array<i32>} : memref<2048xf32, #tpu.memory_space<vmem>>, vector<16xf32>,
      tpu.vector_store %arg18[%swap3A_183], %sub3A_182 {strides = array<i32>} : memref<2048xf32, #tpu.memory_space<vmem>>, vector<16xf32>,
      %sub3A_185 = arith.subf %get3A_121, %convert_element_type3A_175 : vector<16xf32>
      %swap3A_186 = arith.index_cast %shift_left3A_117 : i32 to index
      %swap3A_187 = tpu.vector_load %arg19[%swap3A_186] {strides = array<i32>} : memref<2048xf32, #tpu.memory_space<vmem>>, vector<16xf32>,
      tpu.vector_store %arg19[%swap3A_186], %sub3A_185 {strides = array<i32>} : memref<2048xf32, #tpu.memory_space<vmem>>, vector<16xf32>,
      %sub3A_188 = arith.subf %convert_element_type3A_174, %convert_element_type3A_173 : vector<16xf32>
      %sub3A_189 = arith.subf %convert_element_type3A_176, %convert_element_type3A_175 : vector<16xf32>
      %mul3A_190 = arith.mulf %sub3A_188, %sub3A_189 : vector<16xf32>
      %max3A_191 = arith.maximumf %scan3A_116, %mul3A_190 : vector<16xf32>
      scf.yield %max3A_191 : vector<16xf32>
    }
    %scan3A_22 = arith.constant 128 : i32
    %reduce_max3A = arith.constant true
    %reduce_max3A_23 = vector.broadcast %reduce_max3A : i1 to vector<16xi1>
    %reduce_max3A_24 = tpu.scan <max>, %scan3A_21 masked %reduce_max3A_23 : vector<16xf32>, vector<16xi1> -> vector<16xf32>
    %reduce_max3A_25 = vector.extract %reduce_max3A_24[15] : f32 from vector<16xf32>
    %gt3A = arith.constant 0.000000e+00 : f32
    %gt3A_26 = arith.cmpf ogt, %reduce_max3A_25, %gt3A : f32
    %convert_element_type3A = arith.extui %gt3A_26 : i1 to i32
    %swap3A = arith.constant 0 : i32
    %swap3A_27 = arith.index_cast %swap3A : i32 to index
    %swap3A_28 = memref.load %arg37[%swap3A_27] : memref<2xi32, #tpu.memory_space<smem>>
    memref.store %convert_element_type3A, %arg37[%swap3A_27] : memref<2xi32, #tpu.memory_space<smem>>
    %get3A = arith.constant 0 : i32
    %get3A_29 = arith.index_cast %get3A : i32 to index
    %get3A_30 = memref.load %arg37[%get3A_29] : memref<2xi32, #tpu.memory_space<smem>>
    %gt3A_31 = arith.constant 0 : i32
    %gt3A_32 = arith.cmpi sgt, %get3A_30, %gt3A_31 : i32
    %convert_element_type3A_33 = arith.extui %gt3A_32 : i1 to i32
    %cond3A = arith.constant 0 : i32
    %cond3A_34 = arith.cmpi ne, %convert_element_type3A_33, %cond3A : i32
    scf.if %cond3A_34 {
      %dma_start3A_115 = arith.constant 0 : i32
      %dma_start3A_116 = tpu.memref_slice %arg2[%dma_start3A_115] : memref<8388608xf32, #tpu.memory_space<hbm>> -> memref<8388608xf32, #tpu.memory_space<hbm>>
      tpu.enqueue_indirect_dma source(%dma_start3A_116 : memref<8388608xf32, #tpu.memory_space<hbm>>) target(%arg12 : memref<2048xf32, #tpu.memory_space<vmem>>) offsets(%arg8 : memref<2048xi32, #tpu.memory_space<vmem>>) semaphore(%arg38 : memref<!tpu.dma_semaphore, #tpu.memory_space<semaphore_mem>>)
      %dma_start3A_117 = arith.constant 0 : i32
      %dma_start3A_118 = tpu.memref_slice %arg2[%dma_start3A_117] : memref<8388608xf32, #tpu.memory_space<hbm>> -> memref<8388608xf32, #tpu.memory_space<hbm>>
      tpu.enqueue_indirect_dma source(%dma_start3A_118 : memref<8388608xf32, #tpu.memory_space<hbm>>) target(%arg13 : memref<2048xf32, #tpu.memory_space<vmem>>) offsets(%arg9 : memref<2048xi32, #tpu.memory_space<vmem>>) semaphore(%arg38 : memref<!tpu.dma_semaphore, #tpu.memory_space<semaphore_mem>>)
      %dma_start3A_119 = arith.constant 0 : i32
      %dma_start3A_120 = tpu.memref_slice %arg2[%dma_start3A_119] : memref<8388608xf32, #tpu.memory_space<hbm>> -> memref<8388608xf32, #tpu.memory_space<hbm>>
      tpu.enqueue_indirect_dma source(%dma_start3A_120 : memref<8388608xf32, #tpu.memory_space<hbm>>) target(%arg14 : memref<2048xf32, #tpu.memory_space<vmem>>) offsets(%arg10 : memref<2048xi32, #tpu.memory_space<vmem>>) semaphore(%arg38 : memref<!tpu.dma_semaphore, #tpu.memory_space<semaphore_mem>>)
      %dma_start3A_121 = arith.constant 0 : i32
      %dma_start3A_122 = tpu.memref_slice %arg2[%dma_start3A_121] : memref<8388608xf32, #tpu.memory_space<hbm>> -> memref<8388608xf32, #tpu.memory_space<hbm>>
      tpu.enqueue_indirect_dma source(%dma_start3A_122 : memref<8388608xf32, #tpu.memory_space<hbm>>) target(%arg15 : memref<2048xf32, #tpu.memory_space<vmem>>) offsets(%arg11 : memref<2048xi32, #tpu.memory_space<vmem>>) semaphore(%arg38 : memref<!tpu.dma_semaphore, #tpu.memory_space<semaphore_mem>>)
    } else {
    }
    %add3A_35 = arith.constant 4096 : i32
    %add3A_36 = arith.addi %mul3A_2, %add3A_35 : i32
    %dma_start3A_37 = tpu.memref_slice %arg3[%add3A_36] : memref<8388608xf32, #tpu.memory_space<hbm>> -> memref<2048xf32, #tpu.memory_space<hbm>>
    %dma_start3A_38 = tpu.memref_slice %arg3[%add3A_36] : memref<8388608xf32, #tpu.memory_space<hbm>> -> memref<2048xf32, #tpu.memory_space<hbm>>
    tpu.enqueue_dma source(%dma_start3A_38 : memref<2048xf32, #tpu.memory_space<hbm>>) target(%arg6 : memref<2048xf32, #tpu.memory_space<vmem>>) target_semaphore(%arg40 : memref<!tpu.dma_semaphore, #tpu.memory_space<semaphore_mem>>)
    %dma_start3A_39 = tpu.memref_slice %arg4[%add3A_36] : memref<8388608xf32, #tpu.memory_space<hbm>> -> memref<2048xf32, #tpu.memory_space<hbm>>
    %dma_start3A_40 = tpu.memref_slice %arg4[%add3A_36] : memref<8388608xf32, #tpu.memory_space<hbm>> -> memref<2048xf32, #tpu.memory_space<hbm>>
    tpu.enqueue_dma source(%dma_start3A_40 : memref<2048xf32, #tpu.memory_space<hbm>>) target(%arg7 : memref<2048xf32, #tpu.memory_space<vmem>>) target_semaphore(%arg40 : memref<!tpu.dma_semaphore, #tpu.memory_space<semaphore_mem>>)
    %add3A_41 = arith.constant 2048 : i32
    %add3A_42 = arith.addi %mul3A_2, %add3A_41 : i32
    %dma_start3A_43 = tpu.memref_slice %arg3[%add3A_42] : memref<8388608xf32, #tpu.memory_space<hbm>> -> memref<2048xf32, #tpu.memory_space<hbm>>
    %dma_start3A_44 = tpu.memref_slice %arg3[%add3A_42] : memref<8388608xf32, #tpu.memory_space<hbm>> -> memref<2048xf32, #tpu.memory_space<hbm>>
    tpu.enqueue_dma source(%dma_start3A_44 : memref<2048xf32, #tpu.memory_space<hbm>>) target(%arg21 : memref<2048xf32, #tpu.memory_space<vmem>>) target_semaphore(%arg41 : memref<!tpu.dma_semaphore, #tpu.memory_space<semaphore_mem>>)
    %dma_start3A_45 = tpu.memref_slice %arg4[%add3A_42] : memref<8388608xf32, #tpu.memory_space<hbm>> -> memref<2048xf32, #tpu.memory_space<hbm>>
    %dma_start3A_46 = tpu.memref_slice %arg4[%add3A_42] : memref<8388608xf32, #tpu.memory_space<hbm>> -> memref<2048xf32, #tpu.memory_space<hbm>>
    tpu.enqueue_dma source(%dma_start3A_46 : memref<2048xf32, #tpu.memory_space<hbm>>) target(%arg22 : memref<2048xf32, #tpu.memory_space<vmem>>) target_semaphore(%arg41 : memref<!tpu.dma_semaphore, #tpu.memory_space<semaphore_mem>>)
    %dma_wait3A_47 = tpu.memref_slice %arg3[%mul3A_2] : memref<8388608xf32, #tpu.memory_space<hbm>> -> memref<2048xf32, #tpu.memory_space<hbm>>
    %dma_wait3A_48 = tpu.memref_slice %arg3[%mul3A_2] : memref<8388608xf32, #tpu.memory_space<hbm>> -> memref<2048xf32, #tpu.memory_space<hbm>>
    tpu.wait_dma2 semaphore(%arg41 : memref<!tpu.dma_semaphore, #tpu.memory_space<semaphore_mem>>) src(%dma_wait3A_48 : memref<2048xf32, #tpu.memory_space<hbm>>) dst(%arg21 : memref<2048xf32, #tpu.memory_space<vmem>>)
    %dma_wait3A_49 = tpu.memref_slice %arg4[%mul3A_2] : memref<8388608xf32, #tpu.memory_space<hbm>> -> memref<2048xf32, #tpu.memory_space<hbm>>
    %dma_wait3A_50 = tpu.memref_slice %arg4[%mul3A_2] : memref<8388608xf32, #tpu.memory_space<hbm>> -> memref<2048xf32, #tpu.memory_space<hbm>>
    tpu.wait_dma2 semaphore(%arg41 : memref<!tpu.dma_semaphore, #tpu.memory_space<semaphore_mem>>) src(%dma_wait3A_50 : memref<2048xf32, #tpu.memory_space<hbm>>) dst(%arg22 : memref<2048xf32, #tpu.memory_space<vmem>>)
    %scan3A_51 = arith.constant 0 : i32
    %scan3A_52 = arith.constant 128 : i32
    %scan3A_53 = arith.addi %scan3A_51, %scan3A_52 : i32
    %scan3A_54 = arith.constant 1 : i32
    %scan3A_55 = scf.for %scan3A_115 = %scan3A_51 to %scan3A_53 step %scan3A_54 iter_args(%scan3A_116 = %broadcast_in_dim3A_3) -> (vector<16xf32>)  : i32 {
      %shift_left3A = arith.constant 4 : i32
      %shift_left3A_117 = arith.shli %scan3A_115, %shift_left3A : i32
      %get3A_118 = arith.index_cast %shift_left3A_117 : i32 to index
      %get3A_119 = tpu.vector_load %arg21[%get3A_118] {strides = array<i32>} : memref<2048xf32, #tpu.memory_space<vmem>>, vector<16xf32>,
      %get3A_120 = arith.index_cast %shift_left3A_117 : i32 to index
      %get3A_121 = tpu.vector_load %arg22[%get3A_120] {strides = array<i32>} : memref<2048xf32, #tpu.memory_space<vmem>>, vector<16xf32>,
      %convert_element_type3A_122 = arith.fptosi %get3A_119 : vector<16xf32> to vector<16xi32>
      %convert_element_type3A_123 = arith.fptosi %get3A_121 : vector<16xf32> to vector<16xi32>
      %jit3A = arith.constant 0 : i32
      %jit3A_124 = arith.constant 511 : i32
      %max3A = vector.broadcast %jit3A : i32 to vector<16xi32>
      %max3A_125 = arith.maxsi %max3A, %convert_element_type3A_122 : vector<16xi32>
      %min3A = vector.broadcast %jit3A_124 : i32 to vector<16xi32>
      %min3A_126 = arith.minsi %min3A, %max3A_125 : vector<16xi32>
      %add3A_127 = arith.constant 1 : i32
      %add3A_128 = vector.broadcast %add3A_127 : i32 to vector<16xi32>
      %add3A_129 = arith.addi %convert_element_type3A_122, %add3A_128 : vector<16xi32>
      %jit3A_130 = arith.constant 0 : i32
      %jit3A_131 = arith.constant 511 : i32
      %max3A_132 = vector.broadcast %jit3A_130 : i32 to vector<16xi32>
      %max3A_133 = arith.maxsi %max3A_132, %add3A_129 : vector<16xi32>
      %min3A_134 = vector.broadcast %jit3A_131 : i32 to vector<16xi32>
      %min3A_135 = arith.minsi %min3A_134, %max3A_133 : vector<16xi32>
      %jit3A_136 = arith.constant 0 : i32
      %jit3A_137 = arith.constant 511 : i32
      %max3A_138 = vector.broadcast %jit3A_136 : i32 to vector<16xi32>
      %max3A_139 = arith.maxsi %max3A_138, %convert_element_type3A_123 : vector<16xi32>
      %min3A_140 = vector.broadcast %jit3A_137 : i32 to vector<16xi32>
      %min3A_141 = arith.minsi %min3A_140, %max3A_139 : vector<16xi32>
      %add3A_142 = arith.constant 1 : i32
      %add3A_143 = vector.broadcast %add3A_142 : i32 to vector<16xi32>
      %add3A_144 = arith.addi %convert_element_type3A_123, %add3A_143 : vector<16xi32>
      %jit3A_145 = arith.constant 0 : i32
      %jit3A_146 = arith.constant 511 : i32
      %max3A_147 = vector.broadcast %jit3A_145 : i32 to vector<16xi32>
      %max3A_148 = arith.maxsi %max3A_147, %add3A_144 : vector<16xi32>
      %min3A_149 = vector.broadcast %jit3A_146 : i32 to vector<16xi32>
      %min3A_150 = arith.minsi %min3A_149, %max3A_148 : vector<16xi32>
      %shift_left3A_151 = arith.constant 9 : i32
      %shift_left3A_152 = vector.broadcast %shift_left3A_151 : i32 to vector<16xi32>
      %shift_left3A_153 = arith.shli %min3A_141, %shift_left3A_152 : vector<16xi32>
      %add3A_154 = vector.broadcast %mul3A_2 : i32 to vector<16xi32>
      %add3A_155 = arith.addi %shift_left3A_153, %add3A_154 : vector<16xi32>
      %shift_left3A_156 = arith.constant 9 : i32
      %shift_left3A_157 = vector.broadcast %shift_left3A_156 : i32 to vector<16xi32>
      %shift_left3A_158 = arith.shli %min3A_150, %shift_left3A_157 : vector<16xi32>
      %add3A_159 = vector.broadcast %mul3A_2 : i32 to vector<16xi32>
      %add3A_160 = arith.addi %shift_left3A_158, %add3A_159 : vector<16xi32>
      %add3A_161 = arith.addi %add3A_155, %min3A_126 : vector<16xi32>
      %swap3A_162 = arith.index_cast %shift_left3A_117 : i32 to index
      %swap3A_163 = tpu.vector_load %arg23[%swap3A_162] {strides = array<i32>} : memref<2048xi32, #tpu.memory_space<vmem>>, vector<16xi32>,
      tpu.vector_store %arg23[%swap3A_162], %add3A_161 {strides = array<i32>} : memref<2048xi32, #tpu.memory_space<vmem>>, vector<16xi32>,
      %add3A_164 = arith.addi %add3A_160, %min3A_126 : vector<16xi32>
      %swap3A_165 = arith.index_cast %shift_left3A_117 : i32 to index
      %swap3A_166 = tpu.vector_load %arg24[%swap3A_165] {strides = array<i32>} : memref<2048xi32, #tpu.memory_space<vmem>>, vector<16xi32>,
      tpu.vector_store %arg24[%swap3A_165], %add3A_164 {strides = array<i32>} : memref<2048xi32, #tpu.memory_space<vmem>>, vector<16xi32>,
      %add3A_167 = arith.addi %add3A_155, %min3A_135 : vector<16xi32>
      %swap3A_168 = arith.index_cast %shift_left3A_117 : i32 to index
      %swap3A_169 = tpu.vector_load %arg25[%swap3A_168] {strides = array<i32>} : memref<2048xi32, #tpu.memory_space<vmem>>, vector<16xi32>,
      tpu.vector_store %arg25[%swap3A_168], %add3A_167 {strides = array<i32>} : memref<2048xi32, #tpu.memory_space<vmem>>, vector<16xi32>,
      %add3A_170 = arith.addi %add3A_160, %min3A_135 : vector<16xi32>
      %swap3A_171 = arith.index_cast %shift_left3A_117 : i32 to index
      %swap3A_172 = tpu.vector_load %arg26[%swap3A_171] {strides = array<i32>} : memref<2048xi32, #tpu.memory_space<vmem>>, vector<16xi32>,
      tpu.vector_store %arg26[%swap3A_171], %add3A_170 {strides = array<i32>} : memref<2048xi32, #tpu.memory_space<vmem>>, vector<16xi32>,
      %convert_element_type3A_173 = arith.sitofp %min3A_126 : vector<16xi32> to vector<16xf32>
      %convert_element_type3A_174 = arith.sitofp %min3A_135 : vector<16xi32> to vector<16xf32>
      %convert_element_type3A_175 = arith.sitofp %min3A_141 : vector<16xi32> to vector<16xf32>
      %convert_element_type3A_176 = arith.sitofp %min3A_150 : vector<16xi32> to vector<16xf32>
      %sub3A = arith.subf %convert_element_type3A_174, %get3A_119 : vector<16xf32>
      %swap3A_177 = arith.index_cast %shift_left3A_117 : i32 to index
      %swap3A_178 = tpu.vector_load %arg31[%swap3A_177] {strides = array<i32>} : memref<2048xf32, #tpu.memory_space<vmem>>, vector<16xf32>,
      tpu.vector_store %arg31[%swap3A_177], %sub3A {strides = array<i32>} : memref<2048xf32, #tpu.memory_space<vmem>>, vector<16xf32>,
      %sub3A_179 = arith.subf %get3A_119, %convert_element_type3A_173 : vector<16xf32>
      %swap3A_180 = arith.index_cast %shift_left3A_117 : i32 to index
      %swap3A_181 = tpu.vector_load %arg32[%swap3A_180] {strides = array<i32>} : memref<2048xf32, #tpu.memory_space<vmem>>, vector<16xf32>,
      tpu.vector_store %arg32[%swap3A_180], %sub3A_179 {strides = array<i32>} : memref<2048xf32, #tpu.memory_space<vmem>>, vector<16xf32>,
      %sub3A_182 = arith.subf %convert_element_type3A_176, %get3A_121 : vector<16xf32>
      %swap3A_183 = arith.index_cast %shift_left3A_117 : i32 to index
      %swap3A_184 = tpu.vector_load %arg33[%swap3A_183] {strides = array<i32>} : memref<2048xf32, #tpu.memory_space<vmem>>, vector<16xf32>,
      tpu.vector_store %arg33[%swap3A_183], %sub3A_182 {strides = array<i32>} : memref<2048xf32, #tpu.memory_space<vmem>>, vector<16xf32>,
      %sub3A_185 = arith.subf %get3A_121, %convert_element_type3A_175 : vector<16xf32>
      %swap3A_186 = arith.index_cast %shift_left3A_117 : i32 to index
      %swap3A_187 = tpu.vector_load %arg34[%swap3A_186] {strides = array<i32>} : memref<2048xf32, #tpu.memory_space<vmem>>, vector<16xf32>,
      tpu.vector_store %arg34[%swap3A_186], %sub3A_185 {strides = array<i32>} : memref<2048xf32, #tpu.memory_space<vmem>>, vector<16xf32>,
      %sub3A_188 = arith.subf %convert_element_type3A_174, %convert_element_type3A_173 : vector<16xf32>
      %sub3A_189 = arith.subf %convert_element_type3A_176, %convert_element_type3A_175 : vector<16xf32>
      %mul3A_190 = arith.mulf %sub3A_188, %sub3A_189 : vector<16xf32>
      %max3A_191 = arith.maximumf %scan3A_116, %mul3A_190 : vector<16xf32>
      scf.yield %max3A_191 : vector<16xf32>
    }
    %scan3A_56 = arith.constant 128 : i32
    %reduce_max3A_57 = arith.constant true
    %reduce_max3A_58 = vector.broadcast %reduce_max3A_57 : i1 to vector<16xi1>
    %reduce_max3A_59 = tpu.scan <max>, %scan3A_55 masked %reduce_max3A_58 : vector<16xf32>, vector<16xi1> -> vector<16xf32>
    %reduce_max3A_60 = vector.extract %reduce_max3A_59[15] : f32 from vector<16xf32>
    %gt3A_61 = arith.constant 0.000000e+00 : f32
    %gt3A_62 = arith.cmpf ogt, %reduce_max3A_60, %gt3A_61 : f32
    %convert_element_type3A_63 = arith.extui %gt3A_62 : i1 to i32
    %swap3A_64 = arith.constant 1 : i32
    %swap3A_65 = arith.index_cast %swap3A_64 : i32 to index
    %swap3A_66 = memref.load %arg37[%swap3A_65] : memref<2xi32, #tpu.memory_space<smem>>
    memref.store %convert_element_type3A_63, %arg37[%swap3A_65] : memref<2xi32, #tpu.memory_space<smem>>
    %get3A_67 = arith.constant 1 : i32
    %get3A_68 = arith.index_cast %get3A_67 : i32 to index
    %get3A_69 = memref.load %arg37[%get3A_68] : memref<2xi32, #tpu.memory_space<smem>>
    %gt3A_70 = arith.constant 0 : i32
    %gt3A_71 = arith.cmpi sgt, %get3A_69, %gt3A_70 : i32
    %convert_element_type3A_72 = arith.extui %gt3A_71 : i1 to i32
    %cond3A_73 = arith.constant 0 : i32
    %cond3A_74 = arith.cmpi ne, %convert_element_type3A_72, %cond3A_73 : i32
    scf.if %cond3A_74 {
      %dma_start3A_115 = arith.constant 0 : i32
      %dma_start3A_116 = tpu.memref_slice %arg2[%dma_start3A_115] : memref<8388608xf32, #tpu.memory_space<hbm>> -> memref<8388608xf32, #tpu.memory_space<hbm>>
      tpu.enqueue_indirect_dma source(%dma_start3A_116 : memref<8388608xf32, #tpu.memory_space<hbm>>) target(%arg27 : memref<2048xf32, #tpu.memory_space<vmem>>) offsets(%arg23 : memref<2048xi32, #tpu.memory_space<vmem>>) semaphore(%arg39 : memref<!tpu.dma_semaphore, #tpu.memory_space<semaphore_mem>>)
      %dma_start3A_117 = arith.constant 0 : i32
      %dma_start3A_118 = tpu.memref_slice %arg2[%dma_start3A_117] : memref<8388608xf32, #tpu.memory_space<hbm>> -> memref<8388608xf32, #tpu.memory_space<hbm>>
      tpu.enqueue_indirect_dma source(%dma_start3A_118 : memref<8388608xf32, #tpu.memory_space<hbm>>) target(%arg28 : memref<2048xf32, #tpu.memory_space<vmem>>) offsets(%arg24 : memref<2048xi32, #tpu.memory_space<vmem>>) semaphore(%arg39 : memref<!tpu.dma_semaphore, #tpu.memory_space<semaphore_mem>>)
      %dma_start3A_119 = arith.constant 0 : i32
      %dma_start3A_120 = tpu.memref_slice %arg2[%dma_start3A_119] : memref<8388608xf32, #tpu.memory_space<hbm>> -> memref<8388608xf32, #tpu.memory_space<hbm>>
      tpu.enqueue_indirect_dma source(%dma_start3A_120 : memref<8388608xf32, #tpu.memory_space<hbm>>) target(%arg29 : memref<2048xf32, #tpu.memory_space<vmem>>) offsets(%arg25 : memref<2048xi32, #tpu.memory_space<vmem>>) semaphore(%arg39 : memref<!tpu.dma_semaphore, #tpu.memory_space<semaphore_mem>>)
      %dma_start3A_121 = arith.constant 0 : i32
      %dma_start3A_122 = tpu.memref_slice %arg2[%dma_start3A_121] : memref<8388608xf32, #tpu.memory_space<hbm>> -> memref<8388608xf32, #tpu.memory_space<hbm>>
      tpu.enqueue_indirect_dma source(%dma_start3A_122 : memref<8388608xf32, #tpu.memory_space<hbm>>) target(%arg30 : memref<2048xf32, #tpu.memory_space<vmem>>) offsets(%arg26 : memref<2048xi32, #tpu.memory_space<vmem>>) semaphore(%arg39 : memref<!tpu.dma_semaphore, #tpu.memory_space<semaphore_mem>>)
    } else {
    }
    %add3A_75 = arith.constant 6144 : i32
    %add3A_76 = arith.addi %mul3A_2, %add3A_75 : i32
    %dma_start3A_77 = tpu.memref_slice %arg3[%add3A_76] : memref<8388608xf32, #tpu.memory_space<hbm>> -> memref<2048xf32, #tpu.memory_space<hbm>>
    %dma_start3A_78 = tpu.memref_slice %arg3[%add3A_76] : memref<8388608xf32, #tpu.memory_space<hbm>> -> memref<2048xf32, #tpu.memory_space<hbm>>
    tpu.enqueue_dma source(%dma_start3A_78 : memref<2048xf32, #tpu.memory_space<hbm>>) target(%arg21 : memref<2048xf32, #tpu.memory_space<vmem>>) target_semaphore(%arg41 : memref<!tpu.dma_semaphore, #tpu.memory_space<semaphore_mem>>)
    %dma_start3A_79 = tpu.memref_slice %arg4[%add3A_76] : memref<8388608xf32, #tpu.memory_space<hbm>> -> memref<2048xf32, #tpu.memory_space<hbm>>
    %dma_start3A_80 = tpu.memref_slice %arg4[%add3A_76] : memref<8388608xf32, #tpu.memory_space<hbm>> -> memref<2048xf32, #tpu.memory_space<hbm>>
    tpu.enqueue_dma source(%dma_start3A_80 : memref<2048xf32, #tpu.memory_space<hbm>>) target(%arg22 : memref<2048xf32, #tpu.memory_space<vmem>>) target_semaphore(%arg41 : memref<!tpu.dma_semaphore, #tpu.memory_space<semaphore_mem>>)
    %scan3A_81 = arith.constant 0 : i32
    %scan3A_82 = arith.constant 0 : i32
    %scan3A_83 = arith.constant 64 : i32
    %scan3A_84 = arith.addi %scan3A_82, %scan3A_83 : i32
    %scan3A_85 = arith.constant 1 : i32
    scf.for %scan3A_115 = %scan3A_82 to %scan3A_84 step %scan3A_85  : i32 {
      %mul3A_116 = arith.constant 2 : i32
      %mul3A_117 = arith.muli %mul3A_116, %scan3A_115 : i32
      %add3A_118 = arith.constant 0 : i32
      %add3A_119 = arith.addi %mul3A_117, %add3A_118 : i32
      %get3A_120 = arith.constant 0 : i32
      %get3A_121 = arith.index_cast %get3A_120 : i32 to index
      %get3A_122 = memref.load %arg37[%get3A_121] : memref<2xi32, #tpu.memory_space<smem>>
      %gt3A_123 = arith.constant 0 : i32
      %gt3A_124 = arith.cmpi sgt, %get3A_122, %gt3A_123 : i32
      %convert_element_type3A_125 = arith.extui %gt3A_124 : i1 to i32
      %cond3A_126 = arith.constant 0 : i32
      %cond3A_127 = arith.cmpi ne, %convert_element_type3A_125, %cond3A_126 : i32
      scf.if %cond3A_127 {
        %dma_wait3A_246 = arith.constant 0 : i32
        %dma_wait3A_247 = tpu.memref_slice %arg2[%dma_wait3A_246] : memref<8388608xf32, #tpu.memory_space<hbm>> -> memref<8388608xf32, #tpu.memory_space<hbm>>
        tpu.wait_indirect_dma semaphore(%arg38 : memref<!tpu.dma_semaphore, #tpu.memory_space<semaphore_mem>>) src(%dma_wait3A_247 : memref<8388608xf32, #tpu.memory_space<hbm>>) dst(%arg12 : memref<2048xf32, #tpu.memory_space<vmem>>)
        %dma_wait3A_248 = arith.constant 0 : i32
        %dma_wait3A_249 = tpu.memref_slice %arg2[%dma_wait3A_248] : memref<8388608xf32, #tpu.memory_space<hbm>> -> memref<8388608xf32, #tpu.memory_space<hbm>>
        tpu.wait_indirect_dma semaphore(%arg38 : memref<!tpu.dma_semaphore, #tpu.memory_space<semaphore_mem>>) src(%dma_wait3A_249 : memref<8388608xf32, #tpu.memory_space<hbm>>) dst(%arg13 : memref<2048xf32, #tpu.memory_space<vmem>>)
        %dma_wait3A_250 = arith.constant 0 : i32
        %dma_wait3A_251 = tpu.memref_slice %arg2[%dma_wait3A_250] : memref<8388608xf32, #tpu.memory_space<hbm>> -> memref<8388608xf32, #tpu.memory_space<hbm>>
        tpu.wait_indirect_dma semaphore(%arg38 : memref<!tpu.dma_semaphore, #tpu.memory_space<semaphore_mem>>) src(%dma_wait3A_251 : memref<8388608xf32, #tpu.memory_space<hbm>>) dst(%arg14 : memref<2048xf32, #tpu.memory_space<vmem>>)
        %dma_wait3A_252 = arith.constant 0 : i32
        %dma_wait3A_253 = tpu.memref_slice %arg2[%dma_wait3A_252] : memref<8388608xf32, #tpu.memory_space<hbm>> -> memref<8388608xf32, #tpu.memory_space<hbm>>
        tpu.wait_indirect_dma semaphore(%arg38 : memref<!tpu.dma_semaphore, #tpu.memory_space<semaphore_mem>>) src(%dma_wait3A_253 : memref<8388608xf32, #tpu.memory_space<hbm>>) dst(%arg15 : memref<2048xf32, #tpu.memory_space<vmem>>)
      } else {
      }
      %gt3A_128 = arith.constant 0 : i32
      %gt3A_129 = arith.cmpi sgt, %scan3A_115, %gt3A_128 : i32
      %convert_element_type3A_130 = arith.extui %gt3A_129 : i1 to i32
      %cond3A_131 = arith.constant 0 : i32
      %cond3A_132 = arith.cmpi ne, %convert_element_type3A_130, %cond3A_131 : i32
      scf.if %cond3A_132 {
        %dma_wait3A_246 = tpu.memref_slice %arg5[%mul3A_2] : memref<8388608xf32, #tpu.memory_space<hbm>> -> memref<2048xf32, #tpu.memory_space<hbm>>
        %dma_wait3A_247 = tpu.memref_slice %arg5[%mul3A_2] : memref<8388608xf32, #tpu.memory_space<hbm>> -> memref<2048xf32, #tpu.memory_space<hbm>>
        tpu.wait_dma2 semaphore(%arg42 : memref<!tpu.dma_semaphore, #tpu.memory_space<semaphore_mem>>) src(%arg20 : memref<2048xf32, #tpu.memory_space<vmem>>) dst(%dma_wait3A_247 : memref<2048xf32, #tpu.memory_space<hbm>>)
      } else {
      }
      %gt3A_133 = arith.constant 0 : i32
      %gt3A_134 = arith.cmpi sgt, %get3A_122, %gt3A_133 : i32
      %convert_element_type3A_135 = arith.extui %gt3A_134 : i1 to i32
      %cond3A_136 = arith.constant 0 : i32
      %cond3A_137 = arith.cmpi ne, %convert_element_type3A_135, %cond3A_136 : i32
      scf.if %cond3A_137 {
        %scan3A_246 = arith.constant 0 : i32
        %scan3A_247 = arith.constant 0 : i32
        %scan3A_248 = arith.constant 128 : i32
        %scan3A_249 = arith.addi %scan3A_247, %scan3A_248 : i32
        %scan3A_250 = arith.constant 1 : i32
        scf.for %scan3A_257 = %scan3A_247 to %scan3A_249 step %scan3A_250  : i32 {
          %shift_left3A = arith.constant 4 : i32
          %shift_left3A_258 = arith.shli %scan3A_257, %shift_left3A : i32
          %get3A_259 = arith.index_cast %shift_left3A_258 : i32 to index
          %get3A_260 = tpu.vector_load %arg12[%get3A_259] {strides = array<i32>} : memref<2048xf32, #tpu.memory_space<vmem>>, vector<16xf32>,
          %get3A_261 = arith.index_cast %shift_left3A_258 : i32 to index
          %get3A_262 = tpu.vector_load %arg13[%get3A_261] {strides = array<i32>} : memref<2048xf32, #tpu.memory_space<vmem>>, vector<16xf32>,
          %get3A_263 = arith.index_cast %shift_left3A_258 : i32 to index
          %get3A_264 = tpu.vector_load %arg14[%get3A_263] {strides = array<i32>} : memref<2048xf32, #tpu.memory_space<vmem>>, vector<16xf32>,
          %get3A_265 = arith.index_cast %shift_left3A_258 : i32 to index
          %get3A_266 = tpu.vector_load %arg15[%get3A_265] {strides = array<i32>} : memref<2048xf32, #tpu.memory_space<vmem>>, vector<16xf32>,
          %get3A_267 = arith.index_cast %shift_left3A_258 : i32 to index
          %get3A_268 = tpu.vector_load %arg18[%get3A_267] {strides = array<i32>} : memref<2048xf32, #tpu.memory_space<vmem>>, vector<16xf32>,
          %get3A_269 = arith.index_cast %shift_left3A_258 : i32 to index
          %get3A_270 = tpu.vector_load %arg19[%get3A_269] {strides = array<i32>} : memref<2048xf32, #tpu.memory_space<vmem>>, vector<16xf32>,
          %mul3A_271 = arith.mulf %get3A_268, %get3A_260 : vector<16xf32>
          %mul3A_272 = arith.mulf %get3A_270, %get3A_262 : vector<16xf32>
          %add3A_273 = arith.addf %mul3A_271, %mul3A_272 : vector<16xf32>
          %mul3A_274 = arith.mulf %get3A_268, %get3A_264 : vector<16xf32>
          %mul3A_275 = arith.mulf %get3A_270, %get3A_266 : vector<16xf32>
          %add3A_276 = arith.addf %mul3A_274, %mul3A_275 : vector<16xf32>
          %get3A_277 = arith.index_cast %shift_left3A_258 : i32 to index
          %get3A_278 = tpu.vector_load %arg16[%get3A_277] {strides = array<i32>} : memref<2048xf32, #tpu.memory_space<vmem>>, vector<16xf32>,
          %mul3A_279 = arith.mulf %get3A_278, %add3A_273 : vector<16xf32>
          %get3A_280 = arith.index_cast %shift_left3A_258 : i32 to index
          %get3A_281 = tpu.vector_load %arg17[%get3A_280] {strides = array<i32>} : memref<2048xf32, #tpu.memory_space<vmem>>, vector<16xf32>,
          %mul3A_282 = arith.mulf %get3A_281, %add3A_276 : vector<16xf32>
          %add3A_283 = arith.addf %mul3A_279, %mul3A_282 : vector<16xf32>
          %swap3A_284 = arith.index_cast %shift_left3A_258 : i32 to index
          %swap3A_285 = tpu.vector_load %arg20[%swap3A_284] {strides = array<i32>} : memref<2048xf32, #tpu.memory_space<vmem>>, vector<16xf32>,
          tpu.vector_store %arg20[%swap3A_284], %add3A_283 {strides = array<i32>} : memref<2048xf32, #tpu.memory_space<vmem>>, vector<16xf32>,
        }
        %scan3A_251 = arith.constant 128 : i32
        %mul3A_252 = arith.constant 2048 : i32
        %mul3A_253 = arith.muli %add3A_119, %mul3A_252 : i32
        %add3A_254 = arith.addi %mul3A_2, %mul3A_253 : i32
        %dma_start3A_255 = tpu.memref_slice %arg5[%add3A_254] : memref<8388608xf32, #tpu.memory_space<hbm>> -> memref<2048xf32, #tpu.memory_space<hbm>>
        %dma_start3A_256 = tpu.memref_slice %arg5[%add3A_254] : memref<8388608xf32, #tpu.memory_space<hbm>> -> memref<2048xf32, #tpu.memory_space<hbm>>
        tpu.enqueue_dma source(%arg20 : memref<2048xf32, #tpu.memory_space<vmem>>) target(%dma_start3A_256 : memref<2048xf32, #tpu.memory_space<hbm>>) target_semaphore(%arg42 : memref<!tpu.dma_semaphore, #tpu.memory_space<semaphore_mem>>)
      } else {
      }
      %eq3A = arith.constant 0 : i32
      %eq3A_138 = arith.cmpi eq, %get3A_122, %eq3A : i32
      %convert_element_type3A_139 = arith.extui %eq3A_138 : i1 to i32
      %cond3A_140 = arith.constant 0 : i32
      %cond3A_141 = arith.cmpi ne, %convert_element_type3A_139, %cond3A_140 : i32
      scf.if %cond3A_141 {
        %mul3A_246 = arith.constant 2048 : i32
        %mul3A_247 = arith.muli %add3A_119, %mul3A_246 : i32
        %add3A_248 = arith.addi %mul3A_2, %mul3A_247 : i32
        %dma_start3A_249 = tpu.memref_slice %arg5[%add3A_248] : memref<8388608xf32, #tpu.memory_space<hbm>> -> memref<2048xf32, #tpu.memory_space<hbm>>
        %dma_start3A_250 = tpu.memref_slice %arg5[%add3A_248] : memref<8388608xf32, #tpu.memory_space<hbm>> -> memref<2048xf32, #tpu.memory_space<hbm>>
        tpu.enqueue_dma source(%arg36 : memref<2048xf32, #tpu.memory_space<vmem>>) target(%dma_start3A_250 : memref<2048xf32, #tpu.memory_space<hbm>>) target_semaphore(%arg42 : memref<!tpu.dma_semaphore, #tpu.memory_space<semaphore_mem>>)
      } else {
      }
      %dma_wait3A_142 = tpu.memref_slice %arg3[%mul3A_2] : memref<8388608xf32, #tpu.memory_space<hbm>> -> memref<2048xf32, #tpu.memory_space<hbm>>
      %dma_wait3A_143 = tpu.memref_slice %arg3[%mul3A_2] : memref<8388608xf32, #tpu.memory_space<hbm>> -> memref<2048xf32, #tpu.memory_space<hbm>>
      tpu.wait_dma2 semaphore(%arg40 : memref<!tpu.dma_semaphore, #tpu.memory_space<semaphore_mem>>) src(%dma_wait3A_143 : memref<2048xf32, #tpu.memory_space<hbm>>) dst(%arg6 : memref<2048xf32, #tpu.memory_space<vmem>>)
      %dma_wait3A_144 = tpu.memref_slice %arg4[%mul3A_2] : memref<8388608xf32, #tpu.memory_space<hbm>> -> memref<2048xf32, #tpu.memory_space<hbm>>
      %dma_wait3A_145 = tpu.memref_slice %arg4[%mul3A_2] : memref<8388608xf32, #tpu.memory_space<hbm>> -> memref<2048xf32, #tpu.memory_space<hbm>>
      tpu.wait_dma2 semaphore(%arg40 : memref<!tpu.dma_semaphore, #tpu.memory_space<semaphore_mem>>) src(%dma_wait3A_145 : memref<2048xf32, #tpu.memory_space<hbm>>) dst(%arg7 : memref<2048xf32, #tpu.memory_space<vmem>>)
      %scan3A_146 = arith.constant 0 : i32
      %scan3A_147 = arith.constant 128 : i32
      %scan3A_148 = arith.addi %scan3A_146, %scan3A_147 : i32
      %scan3A_149 = arith.constant 1 : i32
      %scan3A_150 = scf.for %scan3A_246 = %scan3A_146 to %scan3A_148 step %scan3A_149 iter_args(%scan3A_247 = %broadcast_in_dim3A_3) -> (vector<16xf32>)  : i32 {
        %shift_left3A = arith.constant 4 : i32
        %shift_left3A_248 = arith.shli %scan3A_246, %shift_left3A : i32
        %get3A_249 = arith.index_cast %shift_left3A_248 : i32 to index
        %get3A_250 = tpu.vector_load %arg6[%get3A_249] {strides = array<i32>} : memref<2048xf32, #tpu.memory_space<vmem>>, vector<16xf32>,
        %get3A_251 = arith.index_cast %shift_left3A_248 : i32 to index
        %get3A_252 = tpu.vector_load %arg7[%get3A_251] {strides = array<i32>} : memref<2048xf32, #tpu.memory_space<vmem>>, vector<16xf32>,
        %convert_element_type3A_253 = arith.fptosi %get3A_250 : vector<16xf32> to vector<16xi32>
        %convert_element_type3A_254 = arith.fptosi %get3A_252 : vector<16xf32> to vector<16xi32>
        %jit3A = arith.constant 0 : i32
        %jit3A_255 = arith.constant 511 : i32
        %max3A = vector.broadcast %jit3A : i32 to vector<16xi32>
        %max3A_256 = arith.maxsi %max3A, %convert_element_type3A_253 : vector<16xi32>
        %min3A = vector.broadcast %jit3A_255 : i32 to vector<16xi32>
        %min3A_257 = arith.minsi %min3A, %max3A_256 : vector<16xi32>
        %add3A_258 = arith.constant 1 : i32
        %add3A_259 = vector.broadcast %add3A_258 : i32 to vector<16xi32>
        %add3A_260 = arith.addi %convert_element_type3A_253, %add3A_259 : vector<16xi32>
        %jit3A_261 = arith.constant 0 : i32
        %jit3A_262 = arith.constant 511 : i32
        %max3A_263 = vector.broadcast %jit3A_261 : i32 to vector<16xi32>
        %max3A_264 = arith.maxsi %max3A_263, %add3A_260 : vector<16xi32>
        %min3A_265 = vector.broadcast %jit3A_262 : i32 to vector<16xi32>
        %min3A_266 = arith.minsi %min3A_265, %max3A_264 : vector<16xi32>
        %jit3A_267 = arith.constant 0 : i32
        %jit3A_268 = arith.constant 511 : i32
        %max3A_269 = vector.broadcast %jit3A_267 : i32 to vector<16xi32>
        %max3A_270 = arith.maxsi %max3A_269, %convert_element_type3A_254 : vector<16xi32>
        %min3A_271 = vector.broadcast %jit3A_268 : i32 to vector<16xi32>
        %min3A_272 = arith.minsi %min3A_271, %max3A_270 : vector<16xi32>
        %add3A_273 = arith.constant 1 : i32
        %add3A_274 = vector.broadcast %add3A_273 : i32 to vector<16xi32>
        %add3A_275 = arith.addi %convert_element_type3A_254, %add3A_274 : vector<16xi32>
        %jit3A_276 = arith.constant 0 : i32
        %jit3A_277 = arith.constant 511 : i32
        %max3A_278 = vector.broadcast %jit3A_276 : i32 to vector<16xi32>
        %max3A_279 = arith.maxsi %max3A_278, %add3A_275 : vector<16xi32>
        %min3A_280 = vector.broadcast %jit3A_277 : i32 to vector<16xi32>
        %min3A_281 = arith.minsi %min3A_280, %max3A_279 : vector<16xi32>
        %shift_left3A_282 = arith.constant 9 : i32
        %shift_left3A_283 = vector.broadcast %shift_left3A_282 : i32 to vector<16xi32>
        %shift_left3A_284 = arith.shli %min3A_272, %shift_left3A_283 : vector<16xi32>
        %add3A_285 = vector.broadcast %mul3A_2 : i32 to vector<16xi32>
        %add3A_286 = arith.addi %shift_left3A_284, %add3A_285 : vector<16xi32>
        %shift_left3A_287 = arith.constant 9 : i32
        %shift_left3A_288 = vector.broadcast %shift_left3A_287 : i32 to vector<16xi32>
        %shift_left3A_289 = arith.shli %min3A_281, %shift_left3A_288 : vector<16xi32>
        %add3A_290 = vector.broadcast %mul3A_2 : i32 to vector<16xi32>
        %add3A_291 = arith.addi %shift_left3A_289, %add3A_290 : vector<16xi32>
        %add3A_292 = arith.addi %add3A_286, %min3A_257 : vector<16xi32>
        %swap3A_293 = arith.index_cast %shift_left3A_248 : i32 to index
        %swap3A_294 = tpu.vector_load %arg8[%swap3A_293] {strides = array<i32>} : memref<2048xi32, #tpu.memory_space<vmem>>, vector<16xi32>,
        tpu.vector_store %arg8[%swap3A_293], %add3A_292 {strides = array<i32>} : memref<2048xi32, #tpu.memory_space<vmem>>, vector<16xi32>,
        %add3A_295 = arith.addi %add3A_291, %min3A_257 : vector<16xi32>
        %swap3A_296 = arith.index_cast %shift_left3A_248 : i32 to index
        %swap3A_297 = tpu.vector_load %arg9[%swap3A_296] {strides = array<i32>} : memref<2048xi32, #tpu.memory_space<vmem>>, vector<16xi32>,
        tpu.vector_store %arg9[%swap3A_296], %add3A_295 {strides = array<i32>} : memref<2048xi32, #tpu.memory_space<vmem>>, vector<16xi32>,
        %add3A_298 = arith.addi %add3A_286, %min3A_266 : vector<16xi32>
        %swap3A_299 = arith.index_cast %shift_left3A_248 : i32 to index
        %swap3A_300 = tpu.vector_load %arg10[%swap3A_299] {strides = array<i32>} : memref<2048xi32, #tpu.memory_space<vmem>>, vector<16xi32>,
        tpu.vector_store %arg10[%swap3A_299], %add3A_298 {strides = array<i32>} : memref<2048xi32, #tpu.memory_space<vmem>>, vector<16xi32>,
        %add3A_301 = arith.addi %add3A_291, %min3A_266 : vector<16xi32>
        %swap3A_302 = arith.index_cast %shift_left3A_248 : i32 to index
        %swap3A_303 = tpu.vector_load %arg11[%swap3A_302] {strides = array<i32>} : memref<2048xi32, #tpu.memory_space<vmem>>, vector<16xi32>,
        tpu.vector_store %arg11[%swap3A_302], %add3A_301 {strides = array<i32>} : memref<2048xi32, #tpu.memory_space<vmem>>, vector<16xi32>,
        %convert_element_type3A_304 = arith.sitofp %min3A_257 : vector<16xi32> to vector<16xf32>
        %convert_element_type3A_305 = arith.sitofp %min3A_266 : vector<16xi32> to vector<16xf32>
        %convert_element_type3A_306 = arith.sitofp %min3A_272 : vector<16xi32> to vector<16xf32>
        %convert_element_type3A_307 = arith.sitofp %min3A_281 : vector<16xi32> to vector<16xf32>
        %sub3A = arith.subf %convert_element_type3A_305, %get3A_250 : vector<16xf32>
        %swap3A_308 = arith.index_cast %shift_left3A_248 : i32 to index
        %swap3A_309 = tpu.vector_load %arg16[%swap3A_308] {strides = array<i32>} : memref<2048xf32, #tpu.memory_space<vmem>>, vector<16xf32>,
        tpu.vector_store %arg16[%swap3A_308], %sub3A {strides = array<i32>} : memref<2048xf32, #tpu.memory_space<vmem>>, vector<16xf32>,
        %sub3A_310 = arith.subf %get3A_250, %convert_element_type3A_304 : vector<16xf32>
        %swap3A_311 = arith.index_cast %shift_left3A_248 : i32 to index
        %swap3A_312 = tpu.vector_load %arg17[%swap3A_311] {strides = array<i32>} : memref<2048xf32, #tpu.memory_space<vmem>>, vector<16xf32>,
        tpu.vector_store %arg17[%swap3A_311], %sub3A_310 {strides = array<i32>} : memref<2048xf32, #tpu.memory_space<vmem>>, vector<16xf32>,
        %sub3A_313 = arith.subf %convert_element_type3A_307, %get3A_252 : vector<16xf32>
        %swap3A_314 = arith.index_cast %shift_left3A_248 : i32 to index
        %swap3A_315 = tpu.vector_load %arg18[%swap3A_314] {strides = array<i32>} : memref<2048xf32, #tpu.memory_space<vmem>>, vector<16xf32>,
        tpu.vector_store %arg18[%swap3A_314], %sub3A_313 {strides = array<i32>} : memref<2048xf32, #tpu.memory_space<vmem>>, vector<16xf32>,
        %sub3A_316 = arith.subf %get3A_252, %convert_element_type3A_306 : vector<16xf32>
        %swap3A_317 = arith.index_cast %shift_left3A_248 : i32 to index
        %swap3A_318 = tpu.vector_load %arg19[%swap3A_317] {strides = array<i32>} : memref<2048xf32, #tpu.memory_space<vmem>>, vector<16xf32>,
        tpu.vector_store %arg19[%swap3A_317], %sub3A_316 {strides = array<i32>} : memref<2048xf32, #tpu.memory_space<vmem>>, vector<16xf32>,
        %sub3A_319 = arith.subf %convert_element_type3A_305, %convert_element_type3A_304 : vector<16xf32>
        %sub3A_320 = arith.subf %convert_element_type3A_307, %convert_element_type3A_306 : vector<16xf32>
        %mul3A_321 = arith.mulf %sub3A_319, %sub3A_320 : vector<16xf32>
        %max3A_322 = arith.maximumf %scan3A_247, %mul3A_321 : vector<16xf32>
        scf.yield %max3A_322 : vector<16xf32>
      }
      %scan3A_151 = arith.constant 128 : i32
      %reduce_max3A_152 = arith.constant true
      %reduce_max3A_153 = vector.broadcast %reduce_max3A_152 : i1 to vector<16xi1>
      %reduce_max3A_154 = tpu.scan <max>, %scan3A_150 masked %reduce_max3A_153 : vector<16xf32>, vector<16xi1> -> vector<16xf32>
      %reduce_max3A_155 = vector.extract %reduce_max3A_154[15] : f32 from vector<16xf32>
      %gt3A_156 = arith.constant 0.000000e+00 : f32
      %gt3A_157 = arith.cmpf ogt, %reduce_max3A_155, %gt3A_156 : f32
      %convert_element_type3A_158 = arith.extui %gt3A_157 : i1 to i32
      %swap3A_159 = arith.constant 0 : i32
      %swap3A_160 = arith.index_cast %swap3A_159 : i32 to index
      %swap3A_161 = memref.load %arg37[%swap3A_160] : memref<2xi32, #tpu.memory_space<smem>>
      memref.store %convert_element_type3A_158, %arg37[%swap3A_160] : memref<2xi32, #tpu.memory_space<smem>>
      %add3A_162 = arith.constant 4 : i32
      %add3A_163 = arith.addi %add3A_119, %add3A_162 : i32
      %and3A = arith.constant 127 : i32
      %and3A_164 = arith.andi %add3A_163, %and3A : i32
      %mul3A_165 = arith.constant 2048 : i32
      %mul3A_166 = arith.muli %and3A_164, %mul3A_165 : i32
      %add3A_167 = arith.addi %mul3A_2, %mul3A_166 : i32
      %dma_start3A_168 = tpu.memref_slice %arg3[%add3A_167] : memref<8388608xf32, #tpu.memory_space<hbm>> -> memref<2048xf32, #tpu.memory_space<hbm>>
      %dma_start3A_169 = tpu.memref_slice %arg3[%add3A_167] : memref<8388608xf32, #tpu.memory_space<hbm>> -> memref<2048xf32, #tpu.memory_space<hbm>>
      tpu.enqueue_dma source(%dma_start3A_169 : memref<2048xf32, #tpu.memory_space<hbm>>) target(%arg6 : memref<2048xf32, #tpu.memory_space<vmem>>) target_semaphore(%arg40 : memref<!tpu.dma_semaphore, #tpu.memory_space<semaphore_mem>>)
      %dma_start3A_170 = tpu.memref_slice %arg4[%add3A_167] : memref<8388608xf32, #tpu.memory_space<hbm>> -> memref<2048xf32, #tpu.memory_space<hbm>>
      %dma_start3A_171 = tpu.memref_slice %arg4[%add3A_167] : memref<8388608xf32, #tpu.memory_space<hbm>> -> memref<2048xf32, #tpu.memory_space<hbm>>
      tpu.enqueue_dma source(%dma_start3A_171 : memref<2048xf32, #tpu.memory_space<hbm>>) target(%arg7 : memref<2048xf32, #tpu.memory_space<vmem>>) target_semaphore(%arg40 : memref<!tpu.dma_semaphore, #tpu.memory_space<semaphore_mem>>)
      %get3A_172 = arith.constant 0 : i32
      %get3A_173 = arith.index_cast %get3A_172 : i32 to index
      %get3A_174 = memref.load %arg37[%get3A_173] : memref<2xi32, #tpu.memory_space<smem>>
      %gt3A_175 = arith.constant 0 : i32
      %gt3A_176 = arith.cmpi sgt, %get3A_174, %gt3A_175 : i32
      %convert_element_type3A_177 = arith.extui %gt3A_176 : i1 to i32
      %cond3A_178 = arith.constant 0 : i32
      %cond3A_179 = arith.cmpi ne, %convert_element_type3A_177, %cond3A_178 : i32
      scf.if %cond3A_179 {
        %dma_start3A_246 = arith.constant 0 : i32
        %dma_start3A_247 = tpu.memref_slice %arg2[%dma_start3A_246] : memref<8388608xf32, #tpu.memory_space<hbm>> -> memref<8388608xf32, #tpu.memory_space<hbm>>
        tpu.enqueue_indirect_dma source(%dma_start3A_247 : memref<8388608xf32, #tpu.memory_space<hbm>>) target(%arg12 : memref<2048xf32, #tpu.memory_space<vmem>>) offsets(%arg8 : memref<2048xi32, #tpu.memory_space<vmem>>) semaphore(%arg38 : memref<!tpu.dma_semaphore, #tpu.memory_space<semaphore_mem>>)
        %dma_start3A_248 = arith.constant 0 : i32
        %dma_start3A_249 = tpu.memref_slice %arg2[%dma_start3A_248] : memref<8388608xf32, #tpu.memory_space<hbm>> -> memref<8388608xf32, #tpu.memory_space<hbm>>
        tpu.enqueue_indirect_dma source(%dma_start3A_249 : memref<8388608xf32, #tpu.memory_space<hbm>>) target(%arg13 : memref<2048xf32, #tpu.memory_space<vmem>>) offsets(%arg9 : memref<2048xi32, #tpu.memory_space<vmem>>) semaphore(%arg38 : memref<!tpu.dma_semaphore, #tpu.memory_space<semaphore_mem>>)
        %dma_start3A_250 = arith.constant 0 : i32
        %dma_start3A_251 = tpu.memref_slice %arg2[%dma_start3A_250] : memref<8388608xf32, #tpu.memory_space<hbm>> -> memref<8388608xf32, #tpu.memory_space<hbm>>
        tpu.enqueue_indirect_dma source(%dma_start3A_251 : memref<8388608xf32, #tpu.memory_space<hbm>>) target(%arg14 : memref<2048xf32, #tpu.memory_space<vmem>>) offsets(%arg10 : memref<2048xi32, #tpu.memory_space<vmem>>) semaphore(%arg38 : memref<!tpu.dma_semaphore, #tpu.memory_space<semaphore_mem>>)
        %dma_start3A_252 = arith.constant 0 : i32
        %dma_start3A_253 = tpu.memref_slice %arg2[%dma_start3A_252] : memref<8388608xf32, #tpu.memory_space<hbm>> -> memref<8388608xf32, #tpu.memory_space<hbm>>
        tpu.enqueue_indirect_dma source(%dma_start3A_253 : memref<8388608xf32, #tpu.memory_space<hbm>>) target(%arg15 : memref<2048xf32, #tpu.memory_space<vmem>>) offsets(%arg11 : memref<2048xi32, #tpu.memory_space<vmem>>) semaphore(%arg38 : memref<!tpu.dma_semaphore, #tpu.memory_space<semaphore_mem>>)
      } else {
      }
      %mul3A_180 = arith.constant 2 : i32
      %mul3A_181 = arith.muli %mul3A_180, %scan3A_115 : i32
      %add3A_182 = arith.constant 1 : i32
      %add3A_183 = arith.addi %mul3A_181, %add3A_182 : i32
      %get3A_184 = arith.constant 1 : i32
      %get3A_185 = arith.index_cast %get3A_184 : i32 to index
      %get3A_186 = memref.load %arg37[%get3A_185] : memref<2xi32, #tpu.memory_space<smem>>
      %gt3A_187 = arith.constant 0 : i32
      %gt3A_188 = arith.cmpi sgt, %get3A_186, %gt3A_187 : i32
      %convert_element_type3A_189 = arith.extui %gt3A_188 : i1 to i32
      %cond3A_190 = arith.constant 0 : i32
      %cond3A_191 = arith.cmpi ne, %convert_element_type3A_189, %cond3A_190 : i32
      scf.if %cond3A_191 {
        %dma_wait3A_246 = arith.constant 0 : i32
        %dma_wait3A_247 = tpu.memref_slice %arg2[%dma_wait3A_246] : memref<8388608xf32, #tpu.memory_space<hbm>> -> memref<8388608xf32, #tpu.memory_space<hbm>>
        tpu.wait_indirect_dma semaphore(%arg39 : memref<!tpu.dma_semaphore, #tpu.memory_space<semaphore_mem>>) src(%dma_wait3A_247 : memref<8388608xf32, #tpu.memory_space<hbm>>) dst(%arg27 : memref<2048xf32, #tpu.memory_space<vmem>>)
        %dma_wait3A_248 = arith.constant 0 : i32
        %dma_wait3A_249 = tpu.memref_slice %arg2[%dma_wait3A_248] : memref<8388608xf32, #tpu.memory_space<hbm>> -> memref<8388608xf32, #tpu.memory_space<hbm>>
        tpu.wait_indirect_dma semaphore(%arg39 : memref<!tpu.dma_semaphore, #tpu.memory_space<semaphore_mem>>) src(%dma_wait3A_249 : memref<8388608xf32, #tpu.memory_space<hbm>>) dst(%arg28 : memref<2048xf32, #tpu.memory_space<vmem>>)
        %dma_wait3A_250 = arith.constant 0 : i32
        %dma_wait3A_251 = tpu.memref_slice %arg2[%dma_wait3A_250] : memref<8388608xf32, #tpu.memory_space<hbm>> -> memref<8388608xf32, #tpu.memory_space<hbm>>
        tpu.wait_indirect_dma semaphore(%arg39 : memref<!tpu.dma_semaphore, #tpu.memory_space<semaphore_mem>>) src(%dma_wait3A_251 : memref<8388608xf32, #tpu.memory_space<hbm>>) dst(%arg29 : memref<2048xf32, #tpu.memory_space<vmem>>)
        %dma_wait3A_252 = arith.constant 0 : i32
        %dma_wait3A_253 = tpu.memref_slice %arg2[%dma_wait3A_252] : memref<8388608xf32, #tpu.memory_space<hbm>> -> memref<8388608xf32, #tpu.memory_space<hbm>>
        tpu.wait_indirect_dma semaphore(%arg39 : memref<!tpu.dma_semaphore, #tpu.memory_space<semaphore_mem>>) src(%dma_wait3A_253 : memref<8388608xf32, #tpu.memory_space<hbm>>) dst(%arg30 : memref<2048xf32, #tpu.memory_space<vmem>>)
      } else {
      }
      %gt3A_192 = arith.constant 0 : i32
      %gt3A_193 = arith.cmpi sgt, %scan3A_115, %gt3A_192 : i32
      %convert_element_type3A_194 = arith.extui %gt3A_193 : i1 to i32
      %cond3A_195 = arith.constant 0 : i32
      %cond3A_196 = arith.cmpi ne, %convert_element_type3A_194, %cond3A_195 : i32
      scf.if %cond3A_196 {
        %dma_wait3A_246 = tpu.memref_slice %arg5[%mul3A_2] : memref<8388608xf32, #tpu.memory_space<hbm>> -> memref<2048xf32, #tpu.memory_space<hbm>>
        %dma_wait3A_247 = tpu.memref_slice %arg5[%mul3A_2] : memref<8388608xf32, #tpu.memory_space<hbm>> -> memref<2048xf32, #tpu.memory_space<hbm>>
        tpu.wait_dma2 semaphore(%arg43 : memref<!tpu.dma_semaphore, #tpu.memory_space<semaphore_mem>>) src(%arg35 : memref<2048xf32, #tpu.memory_space<vmem>>) dst(%dma_wait3A_247 : memref<2048xf32, #tpu.memory_space<hbm>>)
      } else {
      }
      %gt3A_197 = arith.constant 0 : i32
      %gt3A_198 = arith.cmpi sgt, %get3A_186, %gt3A_197 : i32
      %convert_element_type3A_199 = arith.extui %gt3A_198 : i1 to i32
      %cond3A_200 = arith.constant 0 : i32
      %cond3A_201 = arith.cmpi ne, %convert_element_type3A_199, %cond3A_200 : i32
      scf.if %cond3A_201 {
        %scan3A_246 = arith.constant 0 : i32
        %scan3A_247 = arith.constant 0 : i32
        %scan3A_248 = arith.constant 128 : i32
        %scan3A_249 = arith.addi %scan3A_247, %scan3A_248 : i32
        %scan3A_250 = arith.constant 1 : i32
        scf.for %scan3A_257 = %scan3A_247 to %scan3A_249 step %scan3A_250  : i32 {
          %shift_left3A = arith.constant 4 : i32
          %shift_left3A_258 = arith.shli %scan3A_257, %shift_left3A : i32
          %get3A_259 = arith.index_cast %shift_left3A_258 : i32 to index
          %get3A_260 = tpu.vector_load %arg27[%get3A_259] {strides = array<i32>} : memref<2048xf32, #tpu.memory_space<vmem>>, vector<16xf32>,
          %get3A_261 = arith.index_cast %shift_left3A_258 : i32 to index
          %get3A_262 = tpu.vector_load %arg28[%get3A_261] {strides = array<i32>} : memref<2048xf32, #tpu.memory_space<vmem>>, vector<16xf32>,
          %get3A_263 = arith.index_cast %shift_left3A_258 : i32 to index
          %get3A_264 = tpu.vector_load %arg29[%get3A_263] {strides = array<i32>} : memref<2048xf32, #tpu.memory_space<vmem>>, vector<16xf32>,
          %get3A_265 = arith.index_cast %shift_left3A_258 : i32 to index
          %get3A_266 = tpu.vector_load %arg30[%get3A_265] {strides = array<i32>} : memref<2048xf32, #tpu.memory_space<vmem>>, vector<16xf32>,
          %get3A_267 = arith.index_cast %shift_left3A_258 : i32 to index
          %get3A_268 = tpu.vector_load %arg33[%get3A_267] {strides = array<i32>} : memref<2048xf32, #tpu.memory_space<vmem>>, vector<16xf32>,
          %get3A_269 = arith.index_cast %shift_left3A_258 : i32 to index
          %get3A_270 = tpu.vector_load %arg34[%get3A_269] {strides = array<i32>} : memref<2048xf32, #tpu.memory_space<vmem>>, vector<16xf32>,
          %mul3A_271 = arith.mulf %get3A_268, %get3A_260 : vector<16xf32>
          %mul3A_272 = arith.mulf %get3A_270, %get3A_262 : vector<16xf32>
          %add3A_273 = arith.addf %mul3A_271, %mul3A_272 : vector<16xf32>
          %mul3A_274 = arith.mulf %get3A_268, %get3A_264 : vector<16xf32>
          %mul3A_275 = arith.mulf %get3A_270, %get3A_266 : vector<16xf32>
          %add3A_276 = arith.addf %mul3A_274, %mul3A_275 : vector<16xf32>
          %get3A_277 = arith.index_cast %shift_left3A_258 : i32 to index
          %get3A_278 = tpu.vector_load %arg31[%get3A_277] {strides = array<i32>} : memref<2048xf32, #tpu.memory_space<vmem>>, vector<16xf32>,
          %mul3A_279 = arith.mulf %get3A_278, %add3A_273 : vector<16xf32>
          %get3A_280 = arith.index_cast %shift_left3A_258 : i32 to index
          %get3A_281 = tpu.vector_load %arg32[%get3A_280] {strides = array<i32>} : memref<2048xf32, #tpu.memory_space<vmem>>, vector<16xf32>,
          %mul3A_282 = arith.mulf %get3A_281, %add3A_276 : vector<16xf32>
          %add3A_283 = arith.addf %mul3A_279, %mul3A_282 : vector<16xf32>
          %swap3A_284 = arith.index_cast %shift_left3A_258 : i32 to index
          %swap3A_285 = tpu.vector_load %arg35[%swap3A_284] {strides = array<i32>} : memref<2048xf32, #tpu.memory_space<vmem>>, vector<16xf32>,
          tpu.vector_store %arg35[%swap3A_284], %add3A_283 {strides = array<i32>} : memref<2048xf32, #tpu.memory_space<vmem>>, vector<16xf32>,
        }
        %scan3A_251 = arith.constant 128 : i32
        %mul3A_252 = arith.constant 2048 : i32
        %mul3A_253 = arith.muli %add3A_183, %mul3A_252 : i32
        %add3A_254 = arith.addi %mul3A_2, %mul3A_253 : i32
        %dma_start3A_255 = tpu.memref_slice %arg5[%add3A_254] : memref<8388608xf32, #tpu.memory_space<hbm>> -> memref<2048xf32, #tpu.memory_space<hbm>>
        %dma_start3A_256 = tpu.memref_slice %arg5[%add3A_254] : memref<8388608xf32, #tpu.memory_space<hbm>> -> memref<2048xf32, #tpu.memory_space<hbm>>
        tpu.enqueue_dma source(%arg35 : memref<2048xf32, #tpu.memory_space<vmem>>) target(%dma_start3A_256 : memref<2048xf32, #tpu.memory_space<hbm>>) target_semaphore(%arg43 : memref<!tpu.dma_semaphore, #tpu.memory_space<semaphore_mem>>)
      } else {
      }
      %eq3A_202 = arith.constant 0 : i32
      %eq3A_203 = arith.cmpi eq, %get3A_186, %eq3A_202 : i32
      %convert_element_type3A_204 = arith.extui %eq3A_203 : i1 to i32
      %cond3A_205 = arith.constant 0 : i32
      %cond3A_206 = arith.cmpi ne, %convert_element_type3A_204, %cond3A_205 : i32
      scf.if %cond3A_206 {
        %mul3A_246 = arith.constant 2048 : i32
        %mul3A_247 = arith.muli %add3A_183, %mul3A_246 : i32
        %add3A_248 = arith.addi %mul3A_2, %mul3A_247 : i32
        %dma_start3A_249 = tpu.memref_slice %arg5[%add3A_248] : memref<8388608xf32, #tpu.memory_space<hbm>> -> memref<2048xf32, #tpu.memory_space<hbm>>
        %dma_start3A_250 = tpu.memref_slice %arg5[%add3A_248] : memref<8388608xf32, #tpu.memory_space<hbm>> -> memref<2048xf32, #tpu.memory_space<hbm>>
        tpu.enqueue_dma source(%arg36 : memref<2048xf32, #tpu.memory_space<vmem>>) target(%dma_start3A_250 : memref<2048xf32, #tpu.memory_space<hbm>>) target_semaphore(%arg43 : memref<!tpu.dma_semaphore, #tpu.memory_space<semaphore_mem>>)
      } else {
      }
      %dma_wait3A_207 = tpu.memref_slice %arg3[%mul3A_2] : memref<8388608xf32, #tpu.memory_space<hbm>> -> memref<2048xf32, #tpu.memory_space<hbm>>
      %dma_wait3A_208 = tpu.memref_slice %arg3[%mul3A_2] : memref<8388608xf32, #tpu.memory_space<hbm>> -> memref<2048xf32, #tpu.memory_space<hbm>>
      tpu.wait_dma2 semaphore(%arg41 : memref<!tpu.dma_semaphore, #tpu.memory_space<semaphore_mem>>) src(%dma_wait3A_208 : memref<2048xf32, #tpu.memory_space<hbm>>) dst(%arg21 : memref<2048xf32, #tpu.memory_space<vmem>>)
      %dma_wait3A_209 = tpu.memref_slice %arg4[%mul3A_2] : memref<8388608xf32, #tpu.memory_space<hbm>> -> memref<2048xf32, #tpu.memory_space<hbm>>
      %dma_wait3A_210 = tpu.memref_slice %arg4[%mul3A_2] : memref<8388608xf32, #tpu.memory_space<hbm>> -> memref<2048xf32, #tpu.memory_space<hbm>>
      tpu.wait_dma2 semaphore(%arg41 : memref<!tpu.dma_semaphore, #tpu.memory_space<semaphore_mem>>) src(%dma_wait3A_210 : memref<2048xf32, #tpu.memory_space<hbm>>) dst(%arg22 : memref<2048xf32, #tpu.memory_space<vmem>>)
      %scan3A_211 = arith.constant 0 : i32
      %scan3A_212 = arith.constant 128 : i32
      %scan3A_213 = arith.addi %scan3A_211, %scan3A_212 : i32
      %scan3A_214 = arith.constant 1 : i32
      %scan3A_215 = scf.for %scan3A_246 = %scan3A_211 to %scan3A_213 step %scan3A_214 iter_args(%scan3A_247 = %broadcast_in_dim3A_3) -> (vector<16xf32>)  : i32 {
        %shift_left3A = arith.constant 4 : i32
        %shift_left3A_248 = arith.shli %scan3A_246, %shift_left3A : i32
        %get3A_249 = arith.index_cast %shift_left3A_248 : i32 to index
        %get3A_250 = tpu.vector_load %arg21[%get3A_249] {strides = array<i32>} : memref<2048xf32, #tpu.memory_space<vmem>>, vector<16xf32>,
        %get3A_251 = arith.index_cast %shift_left3A_248 : i32 to index
        %get3A_252 = tpu.vector_load %arg22[%get3A_251] {strides = array<i32>} : memref<2048xf32, #tpu.memory_space<vmem>>, vector<16xf32>,
        %convert_element_type3A_253 = arith.fptosi %get3A_250 : vector<16xf32> to vector<16xi32>
        %convert_element_type3A_254 = arith.fptosi %get3A_252 : vector<16xf32> to vector<16xi32>
        %jit3A = arith.constant 0 : i32
        %jit3A_255 = arith.constant 511 : i32
        %max3A = vector.broadcast %jit3A : i32 to vector<16xi32>
        %max3A_256 = arith.maxsi %max3A, %convert_element_type3A_253 : vector<16xi32>
        %min3A = vector.broadcast %jit3A_255 : i32 to vector<16xi32>
        %min3A_257 = arith.minsi %min3A, %max3A_256 : vector<16xi32>
        %add3A_258 = arith.constant 1 : i32
        %add3A_259 = vector.broadcast %add3A_258 : i32 to vector<16xi32>
        %add3A_260 = arith.addi %convert_element_type3A_253, %add3A_259 : vector<16xi32>
        %jit3A_261 = arith.constant 0 : i32
        %jit3A_262 = arith.constant 511 : i32
        %max3A_263 = vector.broadcast %jit3A_261 : i32 to vector<16xi32>
        %max3A_264 = arith.maxsi %max3A_263, %add3A_260 : vector<16xi32>
        %min3A_265 = vector.broadcast %jit3A_262 : i32 to vector<16xi32>
        %min3A_266 = arith.minsi %min3A_265, %max3A_264 : vector<16xi32>
        %jit3A_267 = arith.constant 0 : i32
        %jit3A_268 = arith.constant 511 : i32
        %max3A_269 = vector.broadcast %jit3A_267 : i32 to vector<16xi32>
        %max3A_270 = arith.maxsi %max3A_269, %convert_element_type3A_254 : vector<16xi32>
        %min3A_271 = vector.broadcast %jit3A_268 : i32 to vector<16xi32>
        %min3A_272 = arith.minsi %min3A_271, %max3A_270 : vector<16xi32>
        %add3A_273 = arith.constant 1 : i32
        %add3A_274 = vector.broadcast %add3A_273 : i32 to vector<16xi32>
        %add3A_275 = arith.addi %convert_element_type3A_254, %add3A_274 : vector<16xi32>
        %jit3A_276 = arith.constant 0 : i32
        %jit3A_277 = arith.constant 511 : i32
        %max3A_278 = vector.broadcast %jit3A_276 : i32 to vector<16xi32>
        %max3A_279 = arith.maxsi %max3A_278, %add3A_275 : vector<16xi32>
        %min3A_280 = vector.broadcast %jit3A_277 : i32 to vector<16xi32>
        %min3A_281 = arith.minsi %min3A_280, %max3A_279 : vector<16xi32>
        %shift_left3A_282 = arith.constant 9 : i32
        %shift_left3A_283 = vector.broadcast %shift_left3A_282 : i32 to vector<16xi32>
        %shift_left3A_284 = arith.shli %min3A_272, %shift_left3A_283 : vector<16xi32>
        %add3A_285 = vector.broadcast %mul3A_2 : i32 to vector<16xi32>
        %add3A_286 = arith.addi %shift_left3A_284, %add3A_285 : vector<16xi32>
        %shift_left3A_287 = arith.constant 9 : i32
        %shift_left3A_288 = vector.broadcast %shift_left3A_287 : i32 to vector<16xi32>
        %shift_left3A_289 = arith.shli %min3A_281, %shift_left3A_288 : vector<16xi32>
        %add3A_290 = vector.broadcast %mul3A_2 : i32 to vector<16xi32>
        %add3A_291 = arith.addi %shift_left3A_289, %add3A_290 : vector<16xi32>
        %add3A_292 = arith.addi %add3A_286, %min3A_257 : vector<16xi32>
        %swap3A_293 = arith.index_cast %shift_left3A_248 : i32 to index
        %swap3A_294 = tpu.vector_load %arg23[%swap3A_293] {strides = array<i32>} : memref<2048xi32, #tpu.memory_space<vmem>>, vector<16xi32>,
        tpu.vector_store %arg23[%swap3A_293], %add3A_292 {strides = array<i32>} : memref<2048xi32, #tpu.memory_space<vmem>>, vector<16xi32>,
        %add3A_295 = arith.addi %add3A_291, %min3A_257 : vector<16xi32>
        %swap3A_296 = arith.index_cast %shift_left3A_248 : i32 to index
        %swap3A_297 = tpu.vector_load %arg24[%swap3A_296] {strides = array<i32>} : memref<2048xi32, #tpu.memory_space<vmem>>, vector<16xi32>,
        tpu.vector_store %arg24[%swap3A_296], %add3A_295 {strides = array<i32>} : memref<2048xi32, #tpu.memory_space<vmem>>, vector<16xi32>,
        %add3A_298 = arith.addi %add3A_286, %min3A_266 : vector<16xi32>
        %swap3A_299 = arith.index_cast %shift_left3A_248 : i32 to index
        %swap3A_300 = tpu.vector_load %arg25[%swap3A_299] {strides = array<i32>} : memref<2048xi32, #tpu.memory_space<vmem>>, vector<16xi32>,
        tpu.vector_store %arg25[%swap3A_299], %add3A_298 {strides = array<i32>} : memref<2048xi32, #tpu.memory_space<vmem>>, vector<16xi32>,
        %add3A_301 = arith.addi %add3A_291, %min3A_266 : vector<16xi32>
        %swap3A_302 = arith.index_cast %shift_left3A_248 : i32 to index
        %swap3A_303 = tpu.vector_load %arg26[%swap3A_302] {strides = array<i32>} : memref<2048xi32, #tpu.memory_space<vmem>>, vector<16xi32>,
        tpu.vector_store %arg26[%swap3A_302], %add3A_301 {strides = array<i32>} : memref<2048xi32, #tpu.memory_space<vmem>>, vector<16xi32>,
        %convert_element_type3A_304 = arith.sitofp %min3A_257 : vector<16xi32> to vector<16xf32>
        %convert_element_type3A_305 = arith.sitofp %min3A_266 : vector<16xi32> to vector<16xf32>
        %convert_element_type3A_306 = arith.sitofp %min3A_272 : vector<16xi32> to vector<16xf32>
        %convert_element_type3A_307 = arith.sitofp %min3A_281 : vector<16xi32> to vector<16xf32>
        %sub3A = arith.subf %convert_element_type3A_305, %get3A_250 : vector<16xf32>
        %swap3A_308 = arith.index_cast %shift_left3A_248 : i32 to index
        %swap3A_309 = tpu.vector_load %arg31[%swap3A_308] {strides = array<i32>} : memref<2048xf32, #tpu.memory_space<vmem>>, vector<16xf32>,
        tpu.vector_store %arg31[%swap3A_308], %sub3A {strides = array<i32>} : memref<2048xf32, #tpu.memory_space<vmem>>, vector<16xf32>,
        %sub3A_310 = arith.subf %get3A_250, %convert_element_type3A_304 : vector<16xf32>
        %swap3A_311 = arith.index_cast %shift_left3A_248 : i32 to index
        %swap3A_312 = tpu.vector_load %arg32[%swap3A_311] {strides = array<i32>} : memref<2048xf32, #tpu.memory_space<vmem>>, vector<16xf32>,
        tpu.vector_store %arg32[%swap3A_311], %sub3A_310 {strides = array<i32>} : memref<2048xf32, #tpu.memory_space<vmem>>, vector<16xf32>,
        %sub3A_313 = arith.subf %convert_element_type3A_307, %get3A_252 : vector<16xf32>
        %swap3A_314 = arith.index_cast %shift_left3A_248 : i32 to index
        %swap3A_315 = tpu.vector_load %arg33[%swap3A_314] {strides = array<i32>} : memref<2048xf32, #tpu.memory_space<vmem>>, vector<16xf32>,
        tpu.vector_store %arg33[%swap3A_314], %sub3A_313 {strides = array<i32>} : memref<2048xf32, #tpu.memory_space<vmem>>, vector<16xf32>,
        %sub3A_316 = arith.subf %get3A_252, %convert_element_type3A_306 : vector<16xf32>
        %swap3A_317 = arith.index_cast %shift_left3A_248 : i32 to index
        %swap3A_318 = tpu.vector_load %arg34[%swap3A_317] {strides = array<i32>} : memref<2048xf32, #tpu.memory_space<vmem>>, vector<16xf32>,
        tpu.vector_store %arg34[%swap3A_317], %sub3A_316 {strides = array<i32>} : memref<2048xf32, #tpu.memory_space<vmem>>, vector<16xf32>,
        %sub3A_319 = arith.subf %convert_element_type3A_305, %convert_element_type3A_304 : vector<16xf32>
        %sub3A_320 = arith.subf %convert_element_type3A_307, %convert_element_type3A_306 : vector<16xf32>
        %mul3A_321 = arith.mulf %sub3A_319, %sub3A_320 : vector<16xf32>
        %max3A_322 = arith.maximumf %scan3A_247, %mul3A_321 : vector<16xf32>
        scf.yield %max3A_322 : vector<16xf32>
      }
      %scan3A_216 = arith.constant 128 : i32
      %reduce_max3A_217 = arith.constant true
      %reduce_max3A_218 = vector.broadcast %reduce_max3A_217 : i1 to vector<16xi1>
      %reduce_max3A_219 = tpu.scan <max>, %scan3A_215 masked %reduce_max3A_218 : vector<16xf32>, vector<16xi1> -> vector<16xf32>
      %reduce_max3A_220 = vector.extract %reduce_max3A_219[15] : f32 from vector<16xf32>
      %gt3A_221 = arith.constant 0.000000e+00 : f32
      %gt3A_222 = arith.cmpf ogt, %reduce_max3A_220, %gt3A_221 : f32
      %convert_element_type3A_223 = arith.extui %gt3A_222 : i1 to i32
      %swap3A_224 = arith.constant 1 : i32
      %swap3A_225 = arith.index_cast %swap3A_224 : i32 to index
      %swap3A_226 = memref.load %arg37[%swap3A_225] : memref<2xi32, #tpu.memory_space<smem>>
      memref.store %convert_element_type3A_223, %arg37[%swap3A_225] : memref<2xi32, #tpu.memory_space<smem>>
      %add3A_227 = arith.constant 4 : i32
      %add3A_228 = arith.addi %add3A_183, %add3A_227 : i32
      %and3A_229 = arith.constant 127 : i32
      %and3A_230 = arith.andi %add3A_228, %and3A_229 : i32
      %mul3A_231 = arith.constant 2048 : i32
      %mul3A_232 = arith.muli %and3A_230, %mul3A_231 : i32
      %add3A_233 = arith.addi %mul3A_2, %mul3A_232 : i32
      %dma_start3A_234 = tpu.memref_slice %arg3[%add3A_233] : memref<8388608xf32, #tpu.memory_space<hbm>> -> memref<2048xf32, #tpu.memory_space<hbm>>
      %dma_start3A_235 = tpu.memref_slice %arg3[%add3A_233] : memref<8388608xf32, #tpu.memory_space<hbm>> -> memref<2048xf32, #tpu.memory_space<hbm>>
      tpu.enqueue_dma source(%dma_start3A_235 : memref<2048xf32, #tpu.memory_space<hbm>>) target(%arg21 : memref<2048xf32, #tpu.memory_space<vmem>>) target_semaphore(%arg41 : memref<!tpu.dma_semaphore, #tpu.memory_space<semaphore_mem>>)
      %dma_start3A_236 = tpu.memref_slice %arg4[%add3A_233] : memref<8388608xf32, #tpu.memory_space<hbm>> -> memref<2048xf32, #tpu.memory_space<hbm>>
      %dma_start3A_237 = tpu.memref_slice %arg4[%add3A_233] : memref<8388608xf32, #tpu.memory_space<hbm>> -> memref<2048xf32, #tpu.memory_space<hbm>>
      tpu.enqueue_dma source(%dma_start3A_237 : memref<2048xf32, #tpu.memory_space<hbm>>) target(%arg22 : memref<2048xf32, #tpu.memory_space<vmem>>) target_semaphore(%arg41 : memref<!tpu.dma_semaphore, #tpu.memory_space<semaphore_mem>>)
      %get3A_238 = arith.constant 1 : i32
      %get3A_239 = arith.index_cast %get3A_238 : i32 to index
      %get3A_240 = memref.load %arg37[%get3A_239] : memref<2xi32, #tpu.memory_space<smem>>
      %gt3A_241 = arith.constant 0 : i32
      %gt3A_242 = arith.cmpi sgt, %get3A_240, %gt3A_241 : i32
      %convert_element_type3A_243 = arith.extui %gt3A_242 : i1 to i32
      %cond3A_244 = arith.constant 0 : i32
      %cond3A_245 = arith.cmpi ne, %convert_element_type3A_243, %cond3A_244 : i32
      scf.if %cond3A_245 {
        %dma_start3A_246 = arith.constant 0 : i32
        %dma_start3A_247 = tpu.memref_slice %arg2[%dma_start3A_246] : memref<8388608xf32, #tpu.memory_space<hbm>> -> memref<8388608xf32, #tpu.memory_space<hbm>>
        tpu.enqueue_indirect_dma source(%dma_start3A_247 : memref<8388608xf32, #tpu.memory_space<hbm>>) target(%arg27 : memref<2048xf32, #tpu.memory_space<vmem>>) offsets(%arg23 : memref<2048xi32, #tpu.memory_space<vmem>>) semaphore(%arg39 : memref<!tpu.dma_semaphore, #tpu.memory_space<semaphore_mem>>)
        %dma_start3A_248 = arith.constant 0 : i32
        %dma_start3A_249 = tpu.memref_slice %arg2[%dma_start3A_248] : memref<8388608xf32, #tpu.memory_space<hbm>> -> memref<8388608xf32, #tpu.memory_space<hbm>>
        tpu.enqueue_indirect_dma source(%dma_start3A_249 : memref<8388608xf32, #tpu.memory_space<hbm>>) target(%arg28 : memref<2048xf32, #tpu.memory_space<vmem>>) offsets(%arg24 : memref<2048xi32, #tpu.memory_space<vmem>>) semaphore(%arg39 : memref<!tpu.dma_semaphore, #tpu.memory_space<semaphore_mem>>)
        %dma_start3A_250 = arith.constant 0 : i32
        %dma_start3A_251 = tpu.memref_slice %arg2[%dma_start3A_250] : memref<8388608xf32, #tpu.memory_space<hbm>> -> memref<8388608xf32, #tpu.memory_space<hbm>>
        tpu.enqueue_indirect_dma source(%dma_start3A_251 : memref<8388608xf32, #tpu.memory_space<hbm>>) target(%arg29 : memref<2048xf32, #tpu.memory_space<vmem>>) offsets(%arg25 : memref<2048xi32, #tpu.memory_space<vmem>>) semaphore(%arg39 : memref<!tpu.dma_semaphore, #tpu.memory_space<semaphore_mem>>)
        %dma_start3A_252 = arith.constant 0 : i32
        %dma_start3A_253 = tpu.memref_slice %arg2[%dma_start3A_252] : memref<8388608xf32, #tpu.memory_space<hbm>> -> memref<8388608xf32, #tpu.memory_space<hbm>>
        tpu.enqueue_indirect_dma source(%dma_start3A_253 : memref<8388608xf32, #tpu.memory_space<hbm>>) target(%arg30 : memref<2048xf32, #tpu.memory_space<vmem>>) offsets(%arg26 : memref<2048xi32, #tpu.memory_space<vmem>>) semaphore(%arg39 : memref<!tpu.dma_semaphore, #tpu.memory_space<semaphore_mem>>)
      } else {
      }
    }
    %scan3A_86 = arith.constant 64 : i32
    %dma_wait3A_87 = tpu.memref_slice %arg5[%mul3A_2] : memref<8388608xf32, #tpu.memory_space<hbm>> -> memref<2048xf32, #tpu.memory_space<hbm>>
    %dma_wait3A_88 = tpu.memref_slice %arg5[%mul3A_2] : memref<8388608xf32, #tpu.memory_space<hbm>> -> memref<2048xf32, #tpu.memory_space<hbm>>
    tpu.wait_dma2 semaphore(%arg42 : memref<!tpu.dma_semaphore, #tpu.memory_space<semaphore_mem>>) src(%arg20 : memref<2048xf32, #tpu.memory_space<vmem>>) dst(%dma_wait3A_88 : memref<2048xf32, #tpu.memory_space<hbm>>)
    %get3A_89 = arith.constant 0 : i32
    %get3A_90 = arith.index_cast %get3A_89 : i32 to index
    %get3A_91 = memref.load %arg37[%get3A_90] : memref<2xi32, #tpu.memory_space<smem>>
    %gt3A_92 = arith.constant 0 : i32
    %gt3A_93 = arith.cmpi sgt, %get3A_91, %gt3A_92 : i32
    %convert_element_type3A_94 = arith.extui %gt3A_93 : i1 to i32
    %cond3A_95 = arith.constant 0 : i32
    %cond3A_96 = arith.cmpi ne, %convert_element_type3A_94, %cond3A_95 : i32
    scf.if %cond3A_96 {
      %dma_wait3A_115 = arith.constant 0 : i32
      %dma_wait3A_116 = tpu.memref_slice %arg2[%dma_wait3A_115] : memref<8388608xf32, #tpu.memory_space<hbm>> -> memref<8388608xf32, #tpu.memory_space<hbm>>
      tpu.wait_indirect_dma semaphore(%arg38 : memref<!tpu.dma_semaphore, #tpu.memory_space<semaphore_mem>>) src(%dma_wait3A_116 : memref<8388608xf32, #tpu.memory_space<hbm>>) dst(%arg12 : memref<2048xf32, #tpu.memory_space<vmem>>)
      %dma_wait3A_117 = arith.constant 0 : i32
      %dma_wait3A_118 = tpu.memref_slice %arg2[%dma_wait3A_117] : memref<8388608xf32, #tpu.memory_space<hbm>> -> memref<8388608xf32, #tpu.memory_space<hbm>>
      tpu.wait_indirect_dma semaphore(%arg38 : memref<!tpu.dma_semaphore, #tpu.memory_space<semaphore_mem>>) src(%dma_wait3A_118 : memref<8388608xf32, #tpu.memory_space<hbm>>) dst(%arg13 : memref<2048xf32, #tpu.memory_space<vmem>>)
      %dma_wait3A_119 = arith.constant 0 : i32
      %dma_wait3A_120 = tpu.memref_slice %arg2[%dma_wait3A_119] : memref<8388608xf32, #tpu.memory_space<hbm>> -> memref<8388608xf32, #tpu.memory_space<hbm>>
      tpu.wait_indirect_dma semaphore(%arg38 : memref<!tpu.dma_semaphore, #tpu.memory_space<semaphore_mem>>) src(%dma_wait3A_120 : memref<8388608xf32, #tpu.memory_space<hbm>>) dst(%arg14 : memref<2048xf32, #tpu.memory_space<vmem>>)
      %dma_wait3A_121 = arith.constant 0 : i32
      %dma_wait3A_122 = tpu.memref_slice %arg2[%dma_wait3A_121] : memref<8388608xf32, #tpu.memory_space<hbm>> -> memref<8388608xf32, #tpu.memory_space<hbm>>
      tpu.wait_indirect_dma semaphore(%arg38 : memref<!tpu.dma_semaphore, #tpu.memory_space<semaphore_mem>>) src(%dma_wait3A_122 : memref<8388608xf32, #tpu.memory_space<hbm>>) dst(%arg15 : memref<2048xf32, #tpu.memory_space<vmem>>)
    } else {
    }
    %dma_wait3A_97 = tpu.memref_slice %arg3[%mul3A_2] : memref<8388608xf32, #tpu.memory_space<hbm>> -> memref<2048xf32, #tpu.memory_space<hbm>>
    %dma_wait3A_98 = tpu.memref_slice %arg3[%mul3A_2] : memref<8388608xf32, #tpu.memory_space<hbm>> -> memref<2048xf32, #tpu.memory_space<hbm>>
    tpu.wait_dma2 semaphore(%arg40 : memref<!tpu.dma_semaphore, #tpu.memory_space<semaphore_mem>>) src(%dma_wait3A_98 : memref<2048xf32, #tpu.memory_space<hbm>>) dst(%arg6 : memref<2048xf32, #tpu.memory_space<vmem>>)
    %dma_wait3A_99 = tpu.memref_slice %arg4[%mul3A_2] : memref<8388608xf32, #tpu.memory_space<hbm>> -> memref<2048xf32, #tpu.memory_space<hbm>>
    %dma_wait3A_100 = tpu.memref_slice %arg4[%mul3A_2] : memref<8388608xf32, #tpu.memory_space<hbm>> -> memref<2048xf32, #tpu.memory_space<hbm>>
    tpu.wait_dma2 semaphore(%arg40 : memref<!tpu.dma_semaphore, #tpu.memory_space<semaphore_mem>>) src(%dma_wait3A_100 : memref<2048xf32, #tpu.memory_space<hbm>>) dst(%arg7 : memref<2048xf32, #tpu.memory_space<vmem>>)
    %dma_wait3A_101 = tpu.memref_slice %arg5[%mul3A_2] : memref<8388608xf32, #tpu.memory_space<hbm>> -> memref<2048xf32, #tpu.memory_space<hbm>>
    %dma_wait3A_102 = tpu.memref_slice %arg5[%mul3A_2] : memref<8388608xf32, #tpu.memory_space<hbm>> -> memref<2048xf32, #tpu.memory_space<hbm>>
    tpu.wait_dma2 semaphore(%arg43 : memref<!tpu.dma_semaphore, #tpu.memory_space<semaphore_mem>>) src(%arg35 : memref<2048xf32, #tpu.memory_space<vmem>>) dst(%dma_wait3A_102 : memref<2048xf32, #tpu.memory_space<hbm>>)
    %get3A_103 = arith.constant 1 : i32
    %get3A_104 = arith.index_cast %get3A_103 : i32 to index
    %get3A_105 = memref.load %arg37[%get3A_104] : memref<2xi32, #tpu.memory_space<smem>>
    %gt3A_106 = arith.constant 0 : i32
    %gt3A_107 = arith.cmpi sgt, %get3A_105, %gt3A_106 : i32
    %convert_element_type3A_108 = arith.extui %gt3A_107 : i1 to i32
    %cond3A_109 = arith.constant 0 : i32
    %cond3A_110 = arith.cmpi ne, %convert_element_type3A_108, %cond3A_109 : i32
    scf.if %cond3A_110 {
      %dma_wait3A_115 = arith.constant 0 : i32
      %dma_wait3A_116 = tpu.memref_slice %arg2[%dma_wait3A_115] : memref<8388608xf32, #tpu.memory_space<hbm>> -> memref<8388608xf32, #tpu.memory_space<hbm>>
      tpu.wait_indirect_dma semaphore(%arg39 : memref<!tpu.dma_semaphore, #tpu.memory_space<semaphore_mem>>) src(%dma_wait3A_116 : memref<8388608xf32, #tpu.memory_space<hbm>>) dst(%arg27 : memref<2048xf32, #tpu.memory_space<vmem>>)
      %dma_wait3A_117 = arith.constant 0 : i32
      %dma_wait3A_118 = tpu.memref_slice %arg2[%dma_wait3A_117] : memref<8388608xf32, #tpu.memory_space<hbm>> -> memref<8388608xf32, #tpu.memory_space<hbm>>
      tpu.wait_indirect_dma semaphore(%arg39 : memref<!tpu.dma_semaphore, #tpu.memory_space<semaphore_mem>>) src(%dma_wait3A_118 : memref<8388608xf32, #tpu.memory_space<hbm>>) dst(%arg28 : memref<2048xf32, #tpu.memory_space<vmem>>)
      %dma_wait3A_119 = arith.constant 0 : i32
      %dma_wait3A_120 = tpu.memref_slice %arg2[%dma_wait3A_119] : memref<8388608xf32, #tpu.memory_space<hbm>> -> memref<8388608xf32, #tpu.memory_space<hbm>>
      tpu.wait_indirect_dma semaphore(%arg39 : memref<!tpu.dma_semaphore, #tpu.memory_space<semaphore_mem>>) src(%dma_wait3A_120 : memref<8388608xf32, #tpu.memory_space<hbm>>) dst(%arg29 : memref<2048xf32, #tpu.memory_space<vmem>>)
      %dma_wait3A_121 = arith.constant 0 : i32
      %dma_wait3A_122 = tpu.memref_slice %arg2[%dma_wait3A_121] : memref<8388608xf32, #tpu.memory_space<hbm>> -> memref<8388608xf32, #tpu.memory_space<hbm>>
      tpu.wait_indirect_dma semaphore(%arg39 : memref<!tpu.dma_semaphore, #tpu.memory_space<semaphore_mem>>) src(%dma_wait3A_122 : memref<8388608xf32, #tpu.memory_space<hbm>>) dst(%arg30 : memref<2048xf32, #tpu.memory_space<vmem>>)
    } else {
    }
    %dma_wait3A_111 = tpu.memref_slice %arg3[%mul3A_2] : memref<8388608xf32, #tpu.memory_space<hbm>> -> memref<2048xf32, #tpu.memory_space<hbm>>
    %dma_wait3A_112 = tpu.memref_slice %arg3[%mul3A_2] : memref<8388608xf32, #tpu.memory_space<hbm>> -> memref<2048xf32, #tpu.memory_space<hbm>>
    tpu.wait_dma2 semaphore(%arg41 : memref<!tpu.dma_semaphore, #tpu.memory_space<semaphore_mem>>) src(%dma_wait3A_112 : memref<2048xf32, #tpu.memory_space<hbm>>) dst(%arg21 : memref<2048xf32, #tpu.memory_space<vmem>>)
    %dma_wait3A_113 = tpu.memref_slice %arg4[%mul3A_2] : memref<8388608xf32, #tpu.memory_space<hbm>> -> memref<2048xf32, #tpu.memory_space<hbm>>
    %dma_wait3A_114 = tpu.memref_slice %arg4[%mul3A_2] : memref<8388608xf32, #tpu.memory_space<hbm>> -> memref<2048xf32, #tpu.memory_space<hbm>>
    tpu.wait_dma2 semaphore(%arg41 : memref<!tpu.dma_semaphore, #tpu.memory_space<semaphore_mem>>) src(%dma_wait3A_114 : memref<2048xf32, #tpu.memory_space<hbm>>) dst(%arg22 : memref<2048xf32, #tpu.memory_space<vmem>>)
    return
  }
}

</mosaic_0001>

<sc_bundles>
// kernel: kernel.3.cloned.1.call-start
scs
__scs_entry_jumppad:
0x0: {  	(pc) =	sbr.rel $0x88, $3  }
0x1: {  	(tag) =	ssettag $0x0;
	lr =	simm.s32 $0x1  }
0x2: {  	[smem:$0x3F9F] =	sst lr;
	_ =	strace $0xD0000000  }
0x3: {  	_ = 	snop  }
0x4: {  	_ = 	snop  }
0x5: {  	_ = 	snop  }
0x6: {  	_ = 	snop  }
0x7: {  	_ = 	snop  }
__scs_overlays_trampoline_lowered:
0x8: {  	[smem:$0x3FAE] =	sst s0  }
0x9: {  	[smem:$0x3FAF] =	sst s1  }
0xa: {  	[smem:$0x3FB0] =	sst s2  }
0xb: {  	[smem:$0x3FB1] =	sst s3  }
0xc: {  	[smem:$0x3FB2] =	sst s4  }
0xd: {  	[smem:$0x3FB3] =	sst s5  }
0xe: {  	[smem:$0x3FB4] =	sst s6  }
0xf: {  	[smem:$0x3FB5] =	sst s7  }
0x10: {  	[smem:$0x3FB6] =	sst s8  }
0x11: {  	[smem:$0x3FB7] =	sst s9;
	s0 =	simm.s32 @!p0 $0x0  }
0x12: {  	s1 =	sld [smem:$0x3F9D];
	s0 =	simm.s32 @p0 $0x1  }
0x13: {  	[smem:$0x3FB8] =	sst s0;
	s0 =	simm.s32 @!p1 $0x0  }
0x14: {  	s2 =	sld [smem:$0x3F9C];
	s0 =	simm.s32 @p1 $0x1  }
0x15: {  	[smem:$0x3FB9] =	sst s0;
	s0 =	simm.s32 @!p2 $0x0  }
0x16: {  	s3 =	sld [smem:$0x3FDB];
	s0 =	simm.s32 @p2 $0x1  }
0x17: {  	s4 =	simm.s32 $0x1BF5;
	[smem:$0x3FBB] =	sst s0  }
0x18: {  	s0 =	sld [smem:$0x3F9E];
	_ =	swait.ge [sflag:s4], $0x0  }
0x19: {  	s7 =	sld [smem:$0x3F9F]  }
0x1a: {  	s8 =	sadd.s32 $0xFFFFE003, lr  }
0x1b: {  	s9 =	sadd.s32 $0xFFFFFEF7, lr;
	s5 =	simm.s32 $0xFFFFFFFF;
	p2 =	slt.u32 s8, $0xFFFFF086  }
0x1c: {  	p1 =	slt.u32 s9, $0xF7A;
	s5 =	simm.s32 @!p2 $0x0  }
0x1d: {  	s5 =	simm.s32 @p1 $0x1;
	p0 =	seq.s32 s7, s2  }
0x1e: {  	s7 =	smul.u32 @!p0 $0xF7A, s2;
	p2 =	seq.s32 @!p0 s5, $0x0  }
0x1f: {  	s9 =	smul.u32 $0xF7A, s1;
	s8 =	simm.s32 @!p0 $0x1BF5;
	p2 =	por !p2, p0  }
0x20: {  	[sflag:s8] =	ssyncset.s32 @!p0 $0xFFFFF086;
	s6 =	sadd.s32 @!p0 s3, s7;
	s7 =	simm.s32 @!p0 $0x108  }
0x21: {  	s3 =	sadd.s32 s3, s9;
	s6 =	sadd.s32 @!p0 $0x88, s6;
	s7 =	simm.s32 @p2 $0x1082  }
0x22: {  	[simem:s7], [sflag:s8] =	dma.local @!p0 [hbm:s6], $0xF7A  }
0x23: {  	s9 =	sor.u32 $0xD0000000, s2;
	s6 =	simm.s32 $0x108;
	_ =	swait.ge @!p0 [sflag:s8], $0x0  }
0x24: {  	s3 =	sadd.s32 $0x88, s3;
	s6 =	simm.s32 @!p1 $0x1082;
	[sflag:s4] =	ssyncset.s32 $0xFFFFF086  }
0x25: {  	[simem:s6], [sflag:s4] =	dma.local [hbm:s3], $0xF7A  }
0x26: {  	[smem:$0x3F9F] =	sst s1;
	(tag) =	ssettag s2;
	_ =	strace s9  }
0x27: {  	s1 =	sld [smem:$0x3FAF]  }
0x28: {  	s2 =	sld [smem:$0x3FB0]  }
0x29: {  	s4 =	sld [smem:$0x3FB2]  }
0x2a: {  	p0 =	seq.s32 s5, $0x0;
	s5 =	sld [smem:$0x3FB3]  }
0x2b: {  	s6 =	sld [smem:$0x3FB4]  }
0x2c: {  	s7 =	sld [smem:$0x3FB5]  }
0x2d: {  	s3 =	simm.s32 $0x108;
	s8 =	sld [smem:$0x3FB6]  }
0x2e: {  	s3 =	simm.s32 @!p0 $0x1082;
	s9 =	sld [smem:$0x3FB7]  }
0x2f: {  	lr =	sadd.s32 s0, s3;
	s0 =	sld [smem:$0x3FAE]  }
0x30: {  	s3 =	sld [smem:$0x3FB1]  }
0x31: {  	[smem:$0x3FBA] =	sst s10  }
0x32: {  	s10 =	sld [smem:$0x3FB8];
	_ =	sdelay $0x3  }
0x33: {  	p0 =	seq.s32 s10, $0x1;
	s10 =	sld [smem:$0x3FBA];
	_ =	sdelay $0x3  }
0x34: {  	[smem:$0x3FBA] =	sst s10  }
0x35: {  	s10 =	sld [smem:$0x3FB9];
	_ =	sdelay $0x3  }
0x36: {  	p1 =	seq.s32 s10, $0x1;
	s10 =	sld [smem:$0x3FBA];
	_ =	sdelay $0x3  }
0x37: {  	[smem:$0x3FBA] =	sst s10  }
0x38: {  	s10 =	sld [smem:$0x3FBB]  }
0x39: {  	_ = 	snop;
	(pc) =	sbr.ind lr, $3  }
0x3a: {  	_ = 	snop  }
0x3b: {  	_ = 	snop  }
0x3c: {  	p2 =	seq.s32 s10, $0x1;
	s10 =	sld [smem:$0x3FBA]  }
0x3d: {  	_ =	shalt  }
0x3e: {  	_ =	shalt  }
0x3f: {  	_ =	shalt  }
0x40: {  	_ =	shalt  }
0x41: {  	_ =	shalt  }
0x42: {  	_ =	shalt  }
0x43: {  	_ =	shalt  }
0x44: {  	_ =	shalt  }
0x45: {  	_ =	shalt  }
0x46: {  	_ =	shalt  }
0x47: {  	_ =	shalt  }
0x48: {  	_ =	shalt  }
0x49: {  	_ =	shalt  }
0x4a: {  	_ =	shalt  }
0x4b: {  	_ =	shalt  }
0x4c: {  	_ =	shalt  }
0x4d: {  	_ =	shalt  }
0x4e: {  	_ =	shalt  }
0x4f: {  	_ =	shalt  }
0x50: {  	_ =	shalt  }
0x51: {  	_ =	shalt  }
0x52: {  	_ =	shalt  }
0x53: {  	_ =	shalt  }
0x54: {  	_ =	shalt  }
0x55: {  	_ =	shalt  }
0x56: {  	_ =	shalt  }
0x57: {  	_ =	shalt  }
0x58: {  	_ =	shalt  }
0x59: {  	_ =	shalt  }
0x5a: {  	_ =	shalt  }
0x5b: {  	_ =	shalt  }
0x5c: {  	_ =	shalt  }
0x5d: {  	_ =	shalt  }
0x5e: {  	_ =	shalt  }
0x5f: {  	_ =	shalt  }
0x60: {  	_ =	shalt  }
0x61: {  	_ =	shalt  }
0x62: {  	_ =	shalt  }
0x63: {  	_ =	shalt  }
0x64: {  	_ =	shalt  }
0x65: {  	_ =	shalt  }
0x66: {  	_ =	shalt  }
0x67: {  	_ =	shalt  }
0x68: {  	_ =	shalt  }
0x69: {  	_ =	shalt  }
0x6a: {  	_ =	shalt  }
0x6b: {  	_ =	shalt  }
0x6c: {  	_ =	shalt  }
0x6d: {  	_ =	shalt  }
0x6e: {  	_ =	shalt  }
0x6f: {  	_ =	shalt  }
0x70: {  	_ =	shalt  }
0x71: {  	_ =	shalt  }
0x72: {  	_ =	shalt  }
0x73: {  	_ =	shalt  }
0x74: {  	_ =	shalt  }
0x75: {  	_ =	shalt  }
0x76: {  	_ =	shalt  }
0x77: {  	_ =	shalt  }
0x78: {  	_ =	shalt  }
0x79: {  	_ =	shalt  }
0x7a: {  	_ =	shalt  }
0x7b: {  	_ =	shalt  }
0x7c: {  	_ =	shalt  }
0x7d: {  	_ =	shalt  }
0x7e: {  	_ =	shalt  }
0x7f: {  	_ =	shalt  }
0x80: {  	_ =	shalt  }
0x81: {  	_ =	shalt  }
0x82: {  	_ =	shalt  }
0x83: {  	_ =	shalt  }
0x84: {  	_ =	shalt  }
0x85: {  	_ =	shalt  }
0x86: {  	_ =	shalt  }
0x87: {  	_ =	shalt  }
.Lfunc_end0:
.L_simem_size_0:
called_computation.1_lowered:
.L_overlay_start_0:
0x88: {  	s2 =	sld [smem:$0x3FD9]  }
0x89: {  	s3 =	sld [smem:$0x3FFE];
	_ =	sdelay $0x1  }
0x8a: {  	s1 =	srdreg.scid  }
0x8b: {  	s0 =	sand.u32 $0x1, s1  }
0x8c: {  	s17 =	sshll.u32 s0, $0xA;
	s2 =	sadd.s32 s3, s2  }
0x8d: {  	s2 =	sadd.s32 s2, s17  }
0x8e: {  	[smem:$0x3FC6] =	sst s2  }
0x8f: {  	_ = 	snop  }
0x90: {  	s2 =	sld [smem:$0x3FD0];
	(tm) =	ssettm $0x1  }
0x91: {  	s18 =	sld [smem:$0x3FFB];
	_ =	sdelay $0x3  }
0x92: {  	_ =	strace s18  }
0x93: {  	s3 =	sld [smem:$0x3FFC];
	_ =	sdelay $0x3  }
0x94: {  	_ =	strace s3  }
0x95: {  	s3 =	sld [smem:$0x3FFD];
	_ =	sdelay $0x3  }
0x96: {  	_ =	strace s3  }
0x97: {  	_ =	strace $0x8FFFFFFF  }
0x98: {  	s19 =	sld [smem:$0x3FDB];
	_ =	sdelay $0x1  }
0x99: {  	s4 =	simm.s32 $_scs_section_size  }
0x9a: {  	s5 =	simm.s32 $_size__tile_overlayer_lowered;
	s6 =	simm.s32 $_tile_overlayer_lowered  }
0x9b: {  	s22 =	simm.s32 $0x1BFF;
	s21 =	sshll.u32 s6, $0x1;
	s3 =	sadd.s32 s4, s19  }
0x9c: {  	s7 =	simm.s32 $0x0;
	s20 =	sshll.u32 s5, $0x1;
	s5 =	sadd.s32 s21, s3  }
0x9d: {  	[timem:s7], [sflag:s22] =	dma.local [hbm:s5], s20  }
0x9e: {  	_ =	swait.ge [sflag:s22], s20  }
0x9f: {  	s4 =	ssub.s32 $0x0, s20;
	[sflag:s22] =	ssyncset.done $0x0  }
0xa0: {  	[sflag:s22] =	ssyncadd.s32 s4;
	_ =	sdelay $0x1  }
0xa1: {  	s23 =	simm.s32 $0x1B8B  }
0xa2: {  	_ =	swait.ge [sflag:s23], $0x1  }
0xa3: {  	[sflag:s23] =	ssyncset.done $0x0  }
0xa4: {  	s25 =	simm.s32 $0x1B8E;
	s24 =	sld [smem:$0x3FFE];
	[sflag:s23] =	ssyncadd.s32 $0xFFFFFFFF  }
0xa5: {  	s26 =	simm.s32 $execute0_lowered;
	[smem:$0x3FD2] =	sst s25  }
0xa6: {  	s5 =	sshll.u32 s26, $0x1;
	_ =	strace $0x80000049;
	[dreg:$0x1] =	wrdreg $0xFFFFFFFF  }
0xa7: {  	s28 =	simm.s32 $_size_execute0_lowered;
	s3 =	sadd.s32 s3, s5;
	[dreg:$0x0] =	wrdreg $0x0  }
0xa8: {  	s5 =	sshll.u32 s28, $0x1;
	[dreg:$0x2] =	wrdreg s3  }
0xa9: {  	[dreg:$0x3] =	wrdreg s5  }
0xaa: {  	[dreg:$0x4] =	wrdreg $0xC0  }
0xab: {  	_ =	task [dreg:s7], $0x5FFFF  }
0xac: {  	[dreg:$0x1] =	wrdreg $0xFFFFFFFF  }
0xad: {  	[dreg:$0x0] =	wrdreg $0x60  }
0xae: {  	[dreg:$0x2] =	wrdreg s24  }
0xaf: {  	[dreg:$0x3] =	wrdreg s2  }
0xb0: {  	[dreg:$0x4] =	wrdreg $0x9  }
0xb1: {  	_ =	task.clear_ibuf [dreg:s7], $0x5FFFF;
	_ =	strace $0x90000049  }
0xb2: {  	s29 =	simm.s32 $0x9;
	_ =	strace $0x8000004B  }
0xb3: {  	_ =	swait.ge [sflag:s29], $0x1  }
0xb4: {  	[sflag:s29] =	ssyncadd.s32 $0xFFFFFFFF  }
0xb5: {  	_ =	strace $0x9000004B  }
0xb6: {  	_ =	sfence  }
0xb7: {  	s30 =	sld [smem:$0x0];
	_ =	sdelay $0x2  }
0xb8: {  	s31 =	sshll.u32 s1, $0xD;
	s1 =	sshrl.u32 s1, $0x2  }
0xb9: {  	s3 =	sand.u32 $0x4000, s31;
	s1 =	sadd.s32 s1, s30  }
0xba: {  	s0 =	sor.u32 s3, s0;
	s1 =	sshll.u32 s1, $0x11  }
0xbb: {  	s0 =	sor.u32 s1, s0  }
0xbc: {  	s0 =	sadd.s32 $0x8F2B, s0  }
0xbd: {  	[sflag:s0] =	ssyncadd.remote.s32 $0x1  }
0xbe: {  	_ =	sfence.sel $0xFFFF  }
0xbf: {  	[dreg:$0x0] =	wrdreg $0xFFFFFFFF;
	(pc) =	sbr.abs _section_cstart, $3  }
0xc0: {  	[dreg:$0x1] =	wrdreg $0xFFFFFFFF  }
0xc1: {  	_ =	task.clear_ibuf [dreg:s7], $0x2FFFF;
	_ =	strace $0x9FFFFFFF  }
0xc2: {  	(tm) =	ssettm $0x7FFFFFFF  }
0xc3: {  	_ =	shalt  }
tec
execute0_lowered:
.L_overlay_start_1:
0x0: {  	(tag) =	ssettag $0x1  }
0x1: {  	s7 =	rddreg [dreg:$0x0]  }
0x2: {  	s1 =	rddreg [dreg:$0x1]  }
0x3: {  	s3 =	simm.s32 $0x0;
	s4 =	srdreg.scid;
	s2 =	stileid.u32  }
0x4: {  	s17 =	simm.s32 $0x800;
	s18 =	simm.s32 $0x3;
	s19 =	simm.s32 $0x7800  }
0x5: {  	s20 =	simm.s32 $0x8000;
	s21 =	simm.s32 $0x4;
	s22 =	simm.s32 $0x5  }
0x6: {  	s23 =	simm.s32 $0x6;
	s24 =	simm.s32 $0x0;
	[smem:$0x7FF] =	sst s3  }
0x7: {  	s6 =	sand.u32 $0x1, s4;
	s4 =	sadd.s32 $0xE00, s7;
	s8 =	sshll.u32 s2, $0x13  }
0x8: {  	s5 =	sadd.s32 $0x300E00, s7;
	s9 =	sshll.u32 s6, $0x12;
	s10 =	ssub.s32 $0x2, s6  }
0x9: {  	s7 =	sadd.s32 $0x100E00, s7;
	s6 =	sor.u32 s9, s8;
	s31 =	sshrl.u32 s10, $0x1  }
0xa: {  	_ =	strace $0x8000004A;
	s13 =	sshrl.u32 s6, $0x3;
	s16 =	ssub.s32 s10, s31  }
0xb: {  	s8 =	sadd.s32 s5, s13;
	s11 =	sor.u32 $0x200, s13;
	s9 =	sadd.s32 s1, s13  }
0xc: {  	s14 =	sor.u32 $0x100, s13;
	s15 =	sor.u32 $0x300, s13;
	s16 =	smax.u32 s16, $0x1  }
0xd: {  	s10 =	sadd.s32 s5, s11;
	s11 =	sadd.s32 s1, s11;
	s12 =	sadd.s32 s5, s14  }
0xe: {  	v1 =	vimm.f32 $0.0e+00;
	v0 =	vmov s6;
	s13 =	sadd.s32 s1, s14;
	s14 =	sadd.s32 s5, s15;
	s15 =	sadd.s32 s1, s15  }
.LBB2_1:
0xf: {  	s25 =	simm.s32 $0x40;
	s26 =	simm.s32 $0x0  }
.LBB2_2:
0x10: {  	p0 =	sne.s32 s25, $0x1FC0;
	[tilespmem:s26+$0xF000] =	vst v1;
	s26 =	smov.u32 s25;
	s25 =	sadd.s32 $0x40, s25  }
.Ltmp0:
0x11: {  	(pc) =	sbr.rel @p0 .LBB2_2-.Ltmp0, $2  }
0x12: {  	_ =	sdelay $0x2  }
0x13: {  	s26 =	sshra.s32 s26, $0x2  }
0x14: {  	[tilespmem:s26+$0xF000] =	vst v1;
	s25 =	simm.s32 $0x0  }
0x15: {  	[tilespmem:s25], [sflag:$0x3] =	stream.linear.gather [hbm4b:s8+s25], $0x800, $0x38;
	[tilespmem:$0xF800] =	vst v63  }
0x16: {  	_ = 	snop  }
0x17: {  	[tilespmem:s17], [sflag:$0x3] =	stream.linear.gather [hbm4b:s9+s25], $0x800, $0x38;
	[tilespmem:$0xF800] =	vst v63  }
0x18: {  	_ =	swait.ge [sflag:s18], $0x800  }
0x19: {  	[sflag:s18] =	ssyncset.done $0x0  }
0x1a: {  	[sflag:s18] =	ssyncadd.s32 $0xFFFFF800  }
0x1b: {  	_ =	swait.ge [sflag:s18], $0x800  }
0x1c: {  	[sflag:s18] =	ssyncset.done $0x0  }
0x1d: {  	s26 =	simm.s32 $0x0;
	[sflag:s18] =	ssyncadd.s32 $0xFFFFF800  }
0x1e: {  	v3 =	vld [tilespmem:s26+$0x0]  }
0x1f: {  	v2 =	vld [tilespmem:s26+$0x800];
	_ =	sdelay $0x3  }
0x20: {  	v4 =	vtrunc.f32 v3  }
0x21: {  	v5 =	vcvt.f32.s32 v4;
	v4 =	vtrunc.f32 v2  }
0x22: {  	v6 =	vcvt.f32.s32 v4  }
0x23: {  	v4 =	vimm.f32 $0.0e+00;
	vm0 =	vgt.s32 v5, $0x0  }
0x24: {  	v7 =	vadd.s32 $0x1, v5;
	vm1 =	vgt.s32 v6, $0x0;
	v8 =	vadd.s32 $0x1, v6  }
0x25: {  	v5 =	vnsel vm0, $0x0, v5;
	vm14 =	vgt.s32 v7, $0x0;
	v6 =	vnsel vm1, $0x0, v6  }
0x26: {  	v5 =	vmin.u32 v5, $0x1FF;
	vm15 =	vgt.s32 v8, $0x0;
	v9 =	vmin.u32 v6, $0x1FF  }
0x27: {  	s25 =	simm.s32 $0x10;
	v6 =	vnsel vm14, $0x0, v7;
	v7 =	vnsel vm15, $0x0, v8;
	v11 =	vcvt.s32.f32 v5  }
0x28: {  	v8 =	vld [tilespmem:s25+$0x0];
	v6 =	vmin.u32 v6, $0x1FF;
	v12 =	vmin.u32 v7, $0x1FF;
	v10 =	vcvt.s32.f32 v9  }
0x29: {  	s28 =	simm.s32 $0x80;
	v7 =	vld [tilespmem:s25+$0x800];
	v14 =	vshll.u32 v12, $0x9;
	v13 =	vcvt.s32.f32 v6;
	v12 =	vcvt.s32.f32 v12  }
.LBB2_4:
0x2a: {  	p0 =	sne.s32 s28, $0x1FC0;
	v9 =	vshll.u32 v9, $0x9;
	v14 =	vor.u32 v0, v14;
	v15 =	vsub.f32 v3, v11  }
0x2b: {  	v9 =	vor.u32 v0, v9;
	v11 =	vsub.f32 v13, v11;
	v16 =	vsub.f32 v12, v10  }
0x2c: {  	v17 =	vor.u32 v5, v14;
	v13 =	vsub.f32 v13, v3;
	v12 =	vsub.f32 v12, v2;
	[tilespmem:s26+$0x5800] =	vst v15  }
0x2d: {  	v10 =	vsub.f32 v2, v10;
	v15 =	vtrunc.f32 v8;
	[tilespmem:s26+$0x1800] =	vst v17;
	v11 =	vmul.f32 v16, v11;
	v3 =	vmovc v8  }
0x2e: {  	v14 =	vor.u32 v6, v14;
	v8 =	vcvt.f32.s32 v15;
	v15 =	vtrunc.f32 v7;
	[tilespmem:s26+$0x5000] =	vst v13;
	v2 =	vmovc v7  }
0x2f: {  	v5 =	vor.u32 v5, v9;
	v7 =	vcvt.f32.s32 v15;
	[tilespmem:s26+$0x6000] =	vst v12;
	v4 =	vmax.f32 v4, v11  }
0x30: {  	v6 =	vor.u32 v6, v9;
	vm0 =	vgt.s32 v8, $0x0;
	[tilespmem:s26+$0x2800] =	vst v14  }
0x31: {  	v11 =	vadd.s32 $0x1, v8;
	vm1 =	vgt.s32 v7, $0x0;
	v12 =	vadd.s32 $0x1, v7;
	[tilespmem:s26+$0x6800] =	vst v10  }
.Ltmp1:
0x32: {  	v8 =	vnsel vm0, $0x0, v8;
	vm0 =	vgt.s32 v11, $0x0;
	v7 =	vnsel vm1, $0x0, v7;
	[tilespmem:s26+$0x1000] =	vst v5;
	(pc) =	sbr.rel @p0 .LBB2_4-.Ltmp1, $4  }
0x33: {  	v5 =	vmin.u32 v8, $0x1FF;
	vm1 =	vgt.s32 v12, $0x0;
	v9 =	vmin.u32 v7, $0x1FF;
	[tilespmem:s26+$0x2000] =	vst v6;
	s26 =	smov.u32 s25  }
0x34: {  	s25 =	sshra.s32 s28, $0x2;
	v6 =	vnsel vm0, $0x0, v11;
	v7 =	vnsel vm1, $0x0, v12;
	v11 =	vcvt.s32.f32 v5  }
0x35: {  	v6 =	vmin.u32 v6, $0x1FF;
	v12 =	vmin.u32 v7, $0x1FF;
	v10 =	vcvt.s32.f32 v9;
	v8 =	vld [tilespmem:s25+$0x0]  }
0x36: {  	s28 =	sadd.s32 $0x40, s28;
	v14 =	vshll.u32 v12, $0x9;
	v13 =	vcvt.s32.f32 v6;
	v12 =	vcvt.s32.f32 v12;
	v7 =	vld [tilespmem:s25+$0x800]  }
0x37: {  	_ =	sdelay $0x2  }
0x38: {  	v15 =	vtrunc.f32 v8  }
0x39: {  	v15 =	vcvt.f32.s32 v15;
	v16 =	vtrunc.f32 v7  }
0x3a: {  	v16 =	vcvt.f32.s32 v16  }
0x3b: {  	vm0 =	vgt.s32 v15, $0x0  }
0x3c: {  	v17 =	vadd.s32 $0x1, v15;
	vm1 =	vgt.s32 v16, $0x0;
	v18 =	vadd.s32 $0x1, v16  }
0x3d: {  	v15 =	vnsel vm0, $0x0, v15;
	vm10 =	vgt.s32 v17, $0x0;
	v16 =	vnsel vm1, $0x0, v16  }
0x3e: {  	v15 =	vmin.u32 v15, $0x1FF;
	vm11 =	vgt.s32 v18, $0x0;
	v17 =	vnsel vm10, $0x0, v17  }
0x3f: {  	v16 =	vmin.u32 v16, $0x1FF;
	v18 =	vnsel vm11, $0x0, v18;
	v19 =	vcvt.s32.f32 v15  }
0x40: {  	v17 =	vmin.u32 v17, $0x1FF;
	v18 =	vmin.u32 v18, $0x1FF;
	v20 =	vcvt.s32.f32 v16  }
0x41: {  	v21 =	vcvt.s32.f32 v17;
	v22 =	vcvt.s32.f32 v18  }
0x42: {  	v23 =	vsub.f32 v13, v11;
	v24 =	vsub.f32 v12, v10  }
0x43: {  	v25 =	vsub.f32 v21, v19;
	v26 =	vsub.f32 v22, v20  }
0x44: {  	v23 =	vmul.f32 v24, v23  }
0x45: {  	v63 =	vmul.f32 v26, v25  }
0x46: {  	v4 =	vmax.f32 v4, v23  }
0x47: {  	v4 =	vmax.f32 v4, v63  }
0x48: {  	(xrf0) =	vmax.scan.msk.f32 $0xffff, v4;
	_ =	sdelay $0x5  }
0x49: {  	v4, _, _ =	vpop (xrf0)  }
0x4a: {  	(v2sf) =	vpush v4, $0xF  }
0x4b: {  	v4 =	vsub.f32 v3, v11  }
0x4c: {  	v3 =	vsub.f32 v13, v3  }
0x4d: {  	v11 =	vor.u32 v0, v14;
	[tilespmem:s26+$0x5800] =	vst v4  }
0x4e: {  	v4 =	vor.u32 v5, v11;
	[tilespmem:s26+$0x5000] =	vst v3  }
0x4f: {  	v3 =	vshll.u32 v9, $0x9;
	v9 =	vor.u32 v6, v11;
	[tilespmem:s26+$0x1800] =	vst v4;
	v4 =	vsub.f32 v12, v2  }
0x50: {  	v2 =	vsub.f32 v2, v10;
	[tilespmem:s26+$0x2800] =	vst v9  }
0x51: {  	v3 =	vor.u32 v0, v3;
	[tilespmem:s26+$0x6000] =	vst v4  }
0x52: {  	v4 =	vor.u32 v5, v3;
	[tilespmem:s26+$0x6800] =	vst v2  }
0x53: {  	v2 =	vor.u32 v6, v3;
	v5 =	vsub.f32 v21, v8;
	[tilespmem:s26+$0x1000] =	vst v4  }
0x54: {  	v3 =	vshll.u32 v18, $0x9;
	v4 =	vsub.f32 v8, v19;
	[tilespmem:s26+$0x2000] =	vst v2  }
0x55: {  	v2 =	vor.u32 v0, v3;
	[tilespmem:s25+$0x5000] =	vst v5  }
0x56: {  	v3 =	vor.u32 v15, v2;
	[tilespmem:s25+$0x5800] =	vst v4  }
0x57: {  	v5 =	vsub.f32 v7, v20;
	v2 =	vor.u32 v17, v2;
	[tilespmem:s25+$0x1800] =	vst v3  }
0x58: {  	v4 =	vsub.f32 v22, v7;
	v3 =	vshll.u32 v16, $0x9;
	[tilespmem:s25+$0x2800] =	vst v2  }
0x59: {  	v3 =	vor.u32 v0, v3;
	[tilespmem:s25+$0x6800] =	vst v5;
	s30 =	spop (v2sf)  }
0x5a: {  	[tilespmem:s25+$0x6000] =	vst v4;
	v2 =	vor.u32 v15, v3;
	p0 =	sgt.f32 s30, $0.0e+00  }
0x5b: {  	v3 =	vor.u32 v17, v3;
	[tilespmem:s25+$0x1000] =	vst v2  }
0x5c: {  	[tilespmem:s25+$0x2000] =	vst v3;
	s25 =	simm.s32 @p0 $0x800;
	s26 =	simm.s32 @p0 $0x1000;
	s28 =	simm.s32 @p0 $0x3000  }
0x5d: {  	[tilespmem:s28], [sflag:$0x1] =	stream.indirect.gather @p0 [hbm4b:s4+s25], $0x1, s26, s25, $0xb8;
	[tilespmem:$0xF800] =	vst v63  }
0x5e: {  	s26 =	simm.s32 @p0 $0x1800;
	s28 =	simm.s32 @p0 $0x3800  }
0x5f: {  	[tilespmem:s28], [sflag:$0x1] =	stream.indirect.gather @p0 [hbm4b:s4+s25], $0x1, s26, s25, $0xb8;
	[tilespmem:$0xF800] =	vst v63  }
0x60: {  	s26 =	simm.s32 @p0 $0x2000;
	s28 =	simm.s32 @p0 $0x4000  }
0x61: {  	[tilespmem:s28], [sflag:$0x1] =	stream.indirect.gather @p0 [hbm4b:s4+s25], $0x1, s26, s25, $0xb8;
	[tilespmem:$0xF800] =	vst v63  }
0x62: {  	s26 =	simm.s32 @p0 $0x2800;
	s28 =	simm.s32 @p0 $0x4800  }
0x63: {  	[tilespmem:s28], [sflag:$0x1] =	stream.indirect.gather @p0 [hbm4b:s4+s25], $0x1, s26, s25, $0xb8;
	[tilespmem:$0xF800] =	vst v63  }
0x64: {  	s31 =	simm.s32 $0x0  }
0x65: {  	[tilespmem:s31], [sflag:$0x3] =	stream.linear.gather [hbm4b:s10+s31], $0x800, $0x38;
	[tilespmem:$0xF800] =	vst v63  }
0x66: {  	s26 =	simm.s32 $0x1  }
0x67: {  	[tilespmem:s17], [sflag:$0x3] =	stream.linear.gather [hbm4b:s11+s31], $0x800, $0x38;
	[tilespmem:$0xF800] =	vst v63  }
0x68: {  	s26 =	simm.s32 @!p0 $0x0  }
0x69: {  	[tilespmem:s19], [sflag:$0x4] =	stream.linear.gather [hbm4b:s12+s31], $0x800, $0x38;
	[tilespmem:$0xF800] =	vst v63  }
0x6a: {  	[smem:$0x0] =	sst s26  }
0x6b: {  	[tilespmem:s20], [sflag:$0x4] =	stream.linear.gather [hbm4b:s13+s31], $0x800, $0x38;
	[tilespmem:$0xF800] =	vst v63  }
0x6c: {  	_ =	swait.ge [sflag:s21], $0x800  }
0x6d: {  	[sflag:s21] =	ssyncset.done $0x0  }
0x6e: {  	[sflag:s21] =	ssyncadd.s32 $0xFFFFF800  }
0x6f: {  	_ =	swait.ge [sflag:s21], $0x800  }
0x70: {  	[sflag:s21] =	ssyncset.done $0x0  }
0x71: {  	s28 =	simm.s32 $0x0;
	[sflag:s21] =	ssyncadd.s32 $0xFFFFF800  }
0x72: {  	v3 =	vld [tilespmem:s28+$0x7800]  }
0x73: {  	v2 =	vld [tilespmem:s28+$0x8000];
	_ =	sdelay $0x3  }
0x74: {  	v4 =	vtrunc.f32 v3  }
0x75: {  	v5 =	vcvt.f32.s32 v4;
	v4 =	vtrunc.f32 v2  }
0x76: {  	v6 =	vcvt.f32.s32 v4  }
0x77: {  	v4 =	vimm.f32 $0.0e+00;
	vm12 =	vgt.s32 v5, $0x0  }
0x78: {  	v7 =	vadd.s32 $0x1, v5;
	vm13 =	vgt.s32 v6, $0x0;
	v8 =	vadd.s32 $0x1, v6  }
0x79: {  	v5 =	vnsel vm12, $0x0, v5;
	vm14 =	vgt.s32 v7, $0x0;
	v6 =	vnsel vm13, $0x0, v6  }
0x7a: {  	v5 =	vmin.u32 v5, $0x1FF;
	vm15 =	vgt.s32 v8, $0x0;
	v9 =	vmin.u32 v6, $0x1FF  }
0x7b: {  	s25 =	simm.s32 $0x10;
	v6 =	vnsel vm14, $0x0, v7;
	v7 =	vnsel vm15, $0x0, v8;
	v11 =	vcvt.s32.f32 v5  }
0x7c: {  	v8 =	vld [tilespmem:s25+$0x7800];
	v6 =	vmin.u32 v6, $0x1FF;
	v12 =	vmin.u32 v7, $0x1FF;
	v10 =	vcvt.s32.f32 v9  }
0x7d: {  	s29 =	simm.s32 $0x80;
	v7 =	vld [tilespmem:s25+$0x8000];
	v14 =	vshll.u32 v12, $0x9;
	v13 =	vcvt.s32.f32 v6;
	v12 =	vcvt.s32.f32 v12  }
.LBB2_6:
0x7e: {  	p0 =	sne.s32 s29, $0x1FC0;
	v9 =	vshll.u32 v9, $0x9;
	v14 =	vor.u32 v0, v14;
	v15 =	vsub.f32 v3, v11  }
0x7f: {  	v9 =	vor.u32 v0, v9;
	v11 =	vsub.f32 v13, v11;
	v16 =	vsub.f32 v12, v10  }
0x80: {  	v17 =	vor.u32 v5, v14;
	v13 =	vsub.f32 v13, v3;
	v12 =	vsub.f32 v12, v2;
	[tilespmem:s28+$0xD000] =	vst v15  }
0x81: {  	v10 =	vsub.f32 v2, v10;
	v15 =	vtrunc.f32 v8;
	[tilespmem:s28+$0x9000] =	vst v17;
	v11 =	vmul.f32 v16, v11;
	v3 =	vmovc v8  }
0x82: {  	v14 =	vor.u32 v6, v14;
	v8 =	vcvt.f32.s32 v15;
	v15 =	vtrunc.f32 v7;
	[tilespmem:s28+$0xC800] =	vst v13;
	v2 =	vmovc v7  }
0x83: {  	v5 =	vor.u32 v5, v9;
	v7 =	vcvt.f32.s32 v15;
	[tilespmem:s28+$0xD800] =	vst v12;
	v4 =	vmax.f32 v4, v11  }
0x84: {  	v6 =	vor.u32 v6, v9;
	vm0 =	vgt.s32 v8, $0x0;
	[tilespmem:s28+$0xA000] =	vst v14  }
0x85: {  	v11 =	vadd.s32 $0x1, v8;
	vm1 =	vgt.s32 v7, $0x0;
	v12 =	vadd.s32 $0x1, v7;
	[tilespmem:s28+$0xE000] =	vst v10  }
.Ltmp2:
0x86: {  	v8 =	vnsel vm0, $0x0, v8;
	vm0 =	vgt.s32 v11, $0x0;
	v7 =	vnsel vm1, $0x0, v7;
	[tilespmem:s28+$0x8800] =	vst v5;
	(pc) =	sbr.rel @p0 .LBB2_6-.Ltmp2, $4  }
0x87: {  	v5 =	vmin.u32 v8, $0x1FF;
	vm1 =	vgt.s32 v12, $0x0;
	v9 =	vmin.u32 v7, $0x1FF;
	[tilespmem:s28+$0x9800] =	vst v6;
	s28 =	smov.u32 s25  }
0x88: {  	s25 =	sshra.s32 s29, $0x2;
	v6 =	vnsel vm0, $0x0, v11;
	v7 =	vnsel vm1, $0x0, v12;
	v11 =	vcvt.s32.f32 v5  }
0x89: {  	v6 =	vmin.u32 v6, $0x1FF;
	v12 =	vmin.u32 v7, $0x1FF;
	v10 =	vcvt.s32.f32 v9;
	v8 =	vld [tilespmem:s25+$0x7800]  }
0x8a: {  	s29 =	sadd.s32 $0x40, s29;
	v14 =	vshll.u32 v12, $0x9;
	v13 =	vcvt.s32.f32 v6;
	v12 =	vcvt.s32.f32 v12;
	v7 =	vld [tilespmem:s25+$0x8000]  }
0x8b: {  	_ =	sdelay $0x2  }
0x8c: {  	v15 =	vtrunc.f32 v8  }
0x8d: {  	v15 =	vcvt.f32.s32 v15;
	v16 =	vtrunc.f32 v7  }
0x8e: {  	v16 =	vcvt.f32.s32 v16  }
0x8f: {  	vm0 =	vgt.s32 v15, $0x0  }
0x90: {  	v17 =	vadd.s32 $0x1, v15;
	vm1 =	vgt.s32 v16, $0x0;
	v18 =	vadd.s32 $0x1, v16  }
0x91: {  	v15 =	vnsel vm0, $0x0, v15;
	vm14 =	vgt.s32 v17, $0x0;
	v16 =	vnsel vm1, $0x0, v16  }
0x92: {  	v15 =	vmin.u32 v15, $0x1FF;
	vm15 =	vgt.s32 v18, $0x0;
	v17 =	vnsel vm14, $0x0, v17  }
0x93: {  	v16 =	vmin.u32 v16, $0x1FF;
	v18 =	vnsel vm15, $0x0, v18;
	v19 =	vcvt.s32.f32 v15  }
0x94: {  	v17 =	vmin.u32 v17, $0x1FF;
	v18 =	vmin.u32 v18, $0x1FF;
	v20 =	vcvt.s32.f32 v16  }
0x95: {  	v21 =	vcvt.s32.f32 v17;
	v22 =	vcvt.s32.f32 v18  }
0x96: {  	v23 =	vsub.f32 v13, v11;
	v24 =	vsub.f32 v12, v10  }
0x97: {  	v25 =	vsub.f32 v21, v19;
	v26 =	vsub.f32 v22, v20  }
0x98: {  	v23 =	vmul.f32 v24, v23  }
0x99: {  	v53 =	vmul.f32 v26, v25  }
0x9a: {  	v4 =	vmax.f32 v4, v23  }
0x9b: {  	v4 =	vmax.f32 v4, v53  }
0x9c: {  	(xrf0) =	vmax.scan.msk.f32 $0xffff, v4;
	_ =	sdelay $0x5  }
0x9d: {  	v4, _, _ =	vpop (xrf0)  }
0x9e: {  	(v2sf) =	vpush v4, $0xF  }
0x9f: {  	v54 =	vsub.f32 v3, v11  }
0xa0: {  	v55 =	vor.u32 v0, v14  }
0xa1: {  	v56 =	vor.u32 v5, v55;
	[tilespmem:s28+$0xD000] =	vst v54  }
0xa2: {  	v3 =	vsub.f32 v13, v3;
	v58 =	vor.u32 v6, v55;
	[tilespmem:s28+$0x9000] =	vst v56  }
0xa3: {  	v57 =	vsub.f32 v12, v2;
	[tilespmem:s28+$0xA000] =	vst v58  }
0xa4: {  	v2 =	vsub.f32 v2, v10;
	[tilespmem:s28+$0xC800] =	vst v3;
	v3 =	vshll.u32 v9, $0x9  }
0xa5: {  	[tilespmem:s28+$0xD800] =	vst v57;
	v3 =	vor.u32 v0, v3  }
0xa6: {  	[tilespmem:s28+$0xE000] =	vst v2;
	v59 =	vor.u32 v5, v3  }
0xa7: {  	v2 =	vor.u32 v6, v3;
	[tilespmem:s28+$0x8800] =	vst v59;
	v3 =	vshll.u32 v18, $0x9;
	v60 =	vsub.f32 v8, v19  }
0xa8: {  	[tilespmem:s28+$0x9800] =	vst v2;
	v2 =	vor.u32 v0, v3  }
0xa9: {  	v61 =	vsub.f32 v21, v8;
	v3 =	vor.u32 v15, v2;
	[tilespmem:s25+$0xD000] =	vst v60  }
0xaa: {  	[tilespmem:s25+$0x9000] =	vst v3  }
0xab: {  	v63 =	vsub.f32 v7, v20;
	v2 =	vor.u32 v17, v2;
	[tilespmem:s25+$0xC800] =	vst v61  }
0xac: {  	v62 =	vsub.f32 v22, v7;
	v3 =	vshll.u32 v16, $0x9;
	[tilespmem:s25+$0xA000] =	vst v2  }
0xad: {  	[tilespmem:s25+$0xE000] =	vst v63;
	v3 =	vor.u32 v0, v3;
	s31 =	spop (v2sf)  }
0xae: {  	[tilespmem:s25+$0xD800] =	vst v62;
	v2 =	vor.u32 v15, v3;
	p0 =	sgt.f32 s31, $0.0e+00  }
0xaf: {  	v3 =	vor.u32 v17, v3;
	[tilespmem:s25+$0x8800] =	vst v2  }
0xb0: {  	[tilespmem:s25+$0x9800] =	vst v3;
	s25 =	simm.s32 @p0 $0x800;
	s28 =	simm.s32 @p0 $0x8800;
	s29 =	simm.s32 @p0 $0xA800  }
0xb1: {  	[tilespmem:s29], [sflag:$0x2] =	stream.indirect.gather @p0 [hbm4b:s4+s25], $0x1, s28, s25, $0xb8;
	[tilespmem:$0xF800] =	vst v63  }
0xb2: {  	s28 =	simm.s32 @p0 $0x9000;
	s29 =	simm.s32 @p0 $0xB000  }
0xb3: {  	[tilespmem:s29], [sflag:$0x2] =	stream.indirect.gather @p0 [hbm4b:s4+s25], $0x1, s28, s25, $0xb8;
	[tilespmem:$0xF800] =	vst v63  }
0xb4: {  	s28 =	simm.s32 @p0 $0x9800;
	s29 =	simm.s32 @p0 $0xB800  }
0xb5: {  	[tilespmem:s29], [sflag:$0x2] =	stream.indirect.gather @p0 [hbm4b:s4+s25], $0x1, s28, s25, $0xb8;
	[tilespmem:$0xF800] =	vst v63  }
0xb6: {  	s28 =	simm.s32 @p0 $0xA000;
	s29 =	simm.s32 @p0 $0xC000  }
0xb7: {  	[tilespmem:s29], [sflag:$0x2] =	stream.indirect.gather @p0 [hbm4b:s4+s25], $0x1, s28, s25, $0xb8;
	[tilespmem:$0xF800] =	vst v63  }
0xb8: {  	s29 =	simm.s32 $0x1  }
0xb9: {  	s25 =	simm.s32 $0x0;
	s29 =	simm.s32 @!p0 $0x0  }
0xba: {  	[tilespmem:s19], [sflag:$0x4] =	stream.linear.gather [hbm4b:s14+s25], $0x800, $0x38;
	[tilespmem:$0xF800] =	vst v63  }
0xbb: {  	[smem:$0x1] =	sst s29  }
0xbc: {  	[tilespmem:s20], [sflag:$0x4] =	stream.linear.gather [hbm4b:s15+s25], $0x800, $0x38;
	[tilespmem:$0xF800] =	vst v63  }
.LBB2_8:
0xbd: {  	p0 =	seq.s32 s26, $0x0  }
0xbe: {  	s26 =	simm.s32 @!p0 $0x1  }
0xbf: {  	_ =	swait.ge @!p0 [sflag:s26], $0x800  }
0xc0: {  	[sflag:s26] =	ssyncset.done @!p0 $0x0  }
0xc1: {  	[sflag:s26] =	ssyncadd.s32 @!p0 $0xFFFFF800  }
0xc2: {  	_ =	swait.ge @!p0 [sflag:s26], $0x800  }
0xc3: {  	[sflag:s26] =	ssyncset.done @!p0 $0x0  }
0xc4: {  	[sflag:s26] =	ssyncadd.s32 @!p0 $0xFFFFF800  }
0xc5: {  	_ =	swait.ge @!p0 [sflag:s26], $0x800  }
0xc6: {  	[sflag:s26] =	ssyncset.done @!p0 $0x0  }
0xc7: {  	[sflag:s26] =	ssyncadd.s32 @!p0 $0xFFFFF800  }
0xc8: {  	_ =	swait.ge @!p0 [sflag:s26], $0x800  }
.Ltmp3:
0xc9: {  	p1 =	seq.s32 s25, $0x0;
	[sflag:s26] =	ssyncset.done @!p0 $0x0;
	(pc) =	sbr.rel @p0 .LBB2_9-.Ltmp3, $4  }
0xca: {  	[sflag:s26] =	ssyncadd.s32 @!p0 $0xFFFFF800;
	s26 =	simm.s32 @!p1 $0x5  }
0xcb: {  	_ =	swait.ge @!p1 [sflag:s26], $0x800  }
0xcc: {  	[sflag:s26] =	ssyncset.done @!p1 $0x0  }
0xcd: {  	[sflag:s26] =	ssyncadd.s32 @!p1 $0xFFFFF800  }
0xce: {  	s26 =	simm.s32 $0x0  }
0xcf: {  	v5 =	vld [tilespmem:s26+$0x3000]  }
0xd0: {  	v7 =	vld [tilespmem:s26+$0x3800]  }
0xd1: {  	v8 =	vld [tilespmem:s26+$0x4000]  }
0xd2: {  	v9 =	vld [tilespmem:s26+$0x6000]  }
0xd3: {  	v10 =	vld [tilespmem:s26+$0x6800]  }
0xd4: {  	v11 =	vld [tilespmem:s26+$0x4800]  }
0xd5: {  	v2 =	vld [tilespmem:s26+$0x5000]  }
0xd6: {  	s28 =	simm.s32 $0x10;
	v3 =	vld [tilespmem:s26+$0x5800]  }
0xd7: {  	v6 =	vld [tilespmem:s28+$0x3000]  }
0xd8: {  	v4 =	vld [tilespmem:s28+$0x3800];
	v12 =	vmul.f32 v9, v5;
	v13 =	vmul.f32 v10, v7  }
0xd9: {  	v5 =	vld [tilespmem:s28+$0x4000];
	v9 =	vmul.f32 v9, v8;
	v11 =	vmul.f32 v10, v11  }
0xda: {  	v8 =	vld [tilespmem:s28+$0x6000]  }
0xdb: {  	s30 =	simm.s32 $0x80;
	v7 =	vld [tilespmem:s28+$0x6800];
	v10 =	vadd.f32 v13, v12;
	v9 =	vadd.f32 v11, v9  }
.LBB2_11:
0xdc: {  	p0 =	sne.s32 s30, $0x1FC0;
	v11 =	vld [tilespmem:s28+$0x4800];
	v12 =	vmov v6  }
0xdd: {  	v10 =	vmul.f32 v10, v2;
	v2 =	vld [tilespmem:s28+$0x5000];
	v9 =	vmul.f32 v9, v3  }
0xde: {  	s31 =	sshra.s32 s30, $0x2;
	v3 =	vld [tilespmem:s28+$0x5800]  }
.Ltmp4:
0xdf: {  	v6 =	vld [tilespmem:s31+$0x3000];
	v9 =	vadd.f32 v9, v10;
	(pc) =	sbr.rel @p0 .LBB2_11-.Ltmp4, $4  }
0xe0: {  	v10 =	vmul.f32 v8, v12;
	v12 =	vmul.f32 v7, v4;
	v4 =	vld [tilespmem:s31+$0x3800]  }
0xe1: {  	v13 =	vmul.f32 v8, v5;
	v5 =	vld [tilespmem:s31+$0x4000];
	v11 =	vmul.f32 v7, v11;
	[tilespmem:s26+$0x7000] =	vst v9;
	s26 =	smov.u32 s28;
	s28 =	smov.u32 s31  }
0xe2: {  	v8 =	vld [tilespmem:s28+$0x6000]  }
0xe3: {  	s30 =	sadd.s32 $0x40, s30;
	v10 =	vadd.f32 v12, v10;
	v7 =	vld [tilespmem:s28+$0x6800];
	v9 =	vadd.f32 v11, v13  }
0xe4: {  	v11 =	vld [tilespmem:s28+$0x4800];
	_ =	sdelay $0x2  }
0xe5: {  	v12 =	vld [tilespmem:s28+$0x5000]  }
0xe6: {  	v62 =	vld [tilespmem:s28+$0x5800];
	v6 =	vmul.f32 v8, v6;
	v5 =	vmul.f32 v8, v5  }
0xe7: {  	v4 =	vmul.f32 v7, v4;
	v63 =	vmul.f32 v7, v11;
	_ =	sdelay $0x1  }
0xe8: {  	v4 =	vadd.f32 v4, v6;
	v5 =	vadd.f32 v63, v5  }
0xe9: {  	v2 =	vmul.f32 v10, v2;
	v3 =	vmul.f32 v9, v3  }
.Ltmp5:
0xea: {  	v4 =	vmul.f32 v4, v12;
	v5 =	vmul.f32 v5, v62;
	(pc) =	sbr.rel .LBB2_13-.Ltmp5, $4  }
0xeb: {  	v2 =	vadd.f32 v3, v2  }
0xec: {  	v3 =	vadd.f32 v5, v4  }
0xed: {  	[tilespmem:s26+$0x7000] =	vst v2  }
0xee: {  	s26 =	simm.s32 $0x7000;
	[tilespmem:s28+$0x7000] =	vst v3  }
.LBB2_9:
0xef: {  	s26 =	simm.s32 $0xF000  }
.LBB2_13:
0xf0: {  	s28 =	sshll.u32 s25, $0xC  }
0xf1: {  	s30 =	sadd.s32 s6, s28  }
0xf2: {  	s30 =	sshrl.u32 s30, $0x3  }
0xf3: {  	s31 =	simm.s32 $0x0;
	s30 =	sadd.s32 s7, s30  }
0xf4: {  	[hbm4b:s30+s31] =	stream.linear.scatter [tilespmem:s26], [sflag:$0x5], $0x800, $0x38;
	[tilespmem:$0xF800] =	vst v63  }
0xf5: {  	_ =	swait.ge [sflag:s18], $0x800  }
0xf6: {  	[sflag:s18] =	ssyncset.done $0x0  }
0xf7: {  	[sflag:s18] =	ssyncadd.s32 $0xFFFFF800  }
0xf8: {  	_ =	swait.ge [sflag:s18], $0x800  }
0xf9: {  	[sflag:s18] =	ssyncset.done $0x0  }
0xfa: {  	s30 =	simm.s32 $0x0;
	[sflag:s18] =	ssyncadd.s32 $0xFFFFF800  }
0xfb: {  	v3 =	vld [tilespmem:s30+$0x0]  }
0xfc: {  	v2 =	vld [tilespmem:s30+$0x800];
	_ =	sdelay $0x3  }
0xfd: {  	v4 =	vtrunc.f32 v3  }
0xfe: {  	v5 =	vcvt.f32.s32 v4;
	v4 =	vtrunc.f32 v2  }
0xff: {  	v6 =	vcvt.f32.s32 v4  }
0x100: {  	v4 =	vimm.f32 $0.0e+00;
	vm0 =	vgt.s32 v5, $0x0  }
0x101: {  	v7 =	vadd.s32 $0x1, v5;
	vm1 =	vgt.s32 v6, $0x0;
	v8 =	vadd.s32 $0x1, v6  }
0x102: {  	v5 =	vnsel vm0, $0x0, v5;
	vm14 =	vgt.s32 v7, $0x0;
	v6 =	vnsel vm1, $0x0, v6  }
0x103: {  	v5 =	vmin.u32 v5, $0x1FF;
	vm15 =	vgt.s32 v8, $0x0;
	v9 =	vmin.u32 v6, $0x1FF  }
0x104: {  	s26 =	simm.s32 $0x10;
	v6 =	vnsel vm14, $0x0, v7;
	v7 =	vnsel vm15, $0x0, v8;
	v11 =	vcvt.s32.f32 v5  }
0x105: {  	v8 =	vld [tilespmem:s26+$0x0];
	v6 =	vmin.u32 v6, $0x1FF;
	v12 =	vmin.u32 v7, $0x1FF;
	v10 =	vcvt.s32.f32 v9  }
0x106: {  	s31 =	simm.s32 $0x80;
	v7 =	vld [tilespmem:s26+$0x800];
	v14 =	vshll.u32 v12, $0x9;
	v13 =	vcvt.s32.f32 v6;
	v12 =	vcvt.s32.f32 v12  }
.LBB2_14:
0x107: {  	p0 =	sne.s32 s31, $0x1FC0;
	v9 =	vshll.u32 v9, $0x9;
	v14 =	vor.u32 v0, v14;
	v15 =	vsub.f32 v3, v11  }
0x108: {  	v9 =	vor.u32 v0, v9;
	v11 =	vsub.f32 v13, v11;
	v16 =	vsub.f32 v12, v10  }
0x109: {  	v17 =	vor.u32 v5, v14;
	v13 =	vsub.f32 v13, v3;
	v12 =	vsub.f32 v12, v2;
	[tilespmem:s30+$0x5800] =	vst v15  }
0x10a: {  	v10 =	vsub.f32 v2, v10;
	v15 =	vtrunc.f32 v8;
	[tilespmem:s30+$0x1800] =	vst v17;
	v11 =	vmul.f32 v16, v11;
	v3 =	vmovc v8  }
0x10b: {  	v14 =	vor.u32 v6, v14;
	v8 =	vcvt.f32.s32 v15;
	v15 =	vtrunc.f32 v7;
	[tilespmem:s30+$0x5000] =	vst v13;
	v2 =	vmovc v7  }
0x10c: {  	v5 =	vor.u32 v5, v9;
	v7 =	vcvt.f32.s32 v15;
	[tilespmem:s30+$0x6000] =	vst v12;
	v4 =	vmax.f32 v4, v11  }
0x10d: {  	v6 =	vor.u32 v6, v9;
	vm0 =	vgt.s32 v8, $0x0;
	[tilespmem:s30+$0x2800] =	vst v14  }
0x10e: {  	v11 =	vadd.s32 $0x1, v8;
	vm1 =	vgt.s32 v7, $0x0;
	v12 =	vadd.s32 $0x1, v7;
	[tilespmem:s30+$0x6800] =	vst v10  }
.Ltmp6:
0x10f: {  	v8 =	vnsel vm0, $0x0, v8;
	vm0 =	vgt.s32 v11, $0x0;
	v7 =	vnsel vm1, $0x0, v7;
	[tilespmem:s30+$0x1000] =	vst v5;
	(pc) =	sbr.rel @p0 .LBB2_14-.Ltmp6, $4  }
0x110: {  	v5 =	vmin.u32 v8, $0x1FF;
	vm1 =	vgt.s32 v12, $0x0;
	v9 =	vmin.u32 v7, $0x1FF;
	[tilespmem:s30+$0x2000] =	vst v6;
	s30 =	smov.u32 s26  }
0x111: {  	s26 =	sshra.s32 s31, $0x2;
	v6 =	vnsel vm0, $0x0, v11;
	v7 =	vnsel vm1, $0x0, v12;
	v11 =	vcvt.s32.f32 v5  }
0x112: {  	v6 =	vmin.u32 v6, $0x1FF;
	v12 =	vmin.u32 v7, $0x1FF;
	v10 =	vcvt.s32.f32 v9;
	v8 =	vld [tilespmem:s26+$0x0]  }
0x113: {  	s31 =	sadd.s32 $0x40, s31;
	v14 =	vshll.u32 v12, $0x9;
	v13 =	vcvt.s32.f32 v6;
	v12 =	vcvt.s32.f32 v12;
	v7 =	vld [tilespmem:s26+$0x800]  }
0x114: {  	_ =	sdelay $0x2  }
0x115: {  	v15 =	vtrunc.f32 v8  }
0x116: {  	v15 =	vcvt.f32.s32 v15;
	v16 =	vtrunc.f32 v7  }
0x117: {  	v16 =	vcvt.f32.s32 v16  }
0x118: {  	vm0 =	vgt.s32 v15, $0x0  }
0x119: {  	v17 =	vadd.s32 $0x1, v15;
	vm1 =	vgt.s32 v16, $0x0;
	v18 =	vadd.s32 $0x1, v16  }
0x11a: {  	v15 =	vnsel vm0, $0x0, v15;
	vm14 =	vgt.s32 v17, $0x0;
	v16 =	vnsel vm1, $0x0, v16  }
0x11b: {  	v15 =	vmin.u32 v15, $0x1FF;
	vm15 =	vgt.s32 v18, $0x0;
	v17 =	vnsel vm14, $0x0, v17  }
0x11c: {  	v16 =	vmin.u32 v16, $0x1FF;
	v18 =	vnsel vm15, $0x0, v18;
	v19 =	vcvt.s32.f32 v15  }
0x11d: {  	v17 =	vmin.u32 v17, $0x1FF;
	v18 =	vmin.u32 v18, $0x1FF;
	v20 =	vcvt.s32.f32 v16  }
0x11e: {  	v21 =	vcvt.s32.f32 v17;
	v22 =	vcvt.s32.f32 v18  }
0x11f: {  	v23 =	vsub.f32 v13, v11;
	v24 =	vsub.f32 v12, v10  }
0x120: {  	v25 =	vsub.f32 v21, v19;
	v26 =	vsub.f32 v22, v20  }
0x121: {  	v23 =	vmul.f32 v24, v23  }
0x122: {  	v52 =	vmul.f32 v26, v25  }
0x123: {  	v4 =	vmax.f32 v4, v23  }
0x124: {  	v4 =	vmax.f32 v4, v52  }
0x125: {  	(xrf0) =	vmax.scan.msk.f32 $0xffff, v4;
	_ =	sdelay $0x2  }
0x126: {  	v53 =	vsub.f32 v3, v11  }
0x127: {  	v54 =	vor.u32 v0, v14  }
0x128: {  	v56 =	vor.u32 v5, v54;
	[tilespmem:s30+$0x5800] =	vst v53  }
0x129: {  	v3 =	vsub.f32 v13, v3;
	v58 =	vor.u32 v6, v54;
	[tilespmem:s30+$0x1800] =	vst v56;
	v55, _, _ =	vpop (xrf0)  }
0x12a: {  	v57 =	vsub.f32 v12, v2;
	[tilespmem:s30+$0x2800] =	vst v58;
	(v2sf) =	vpush v55, $0xF  }
0x12b: {  	v2 =	vsub.f32 v2, v10;
	[tilespmem:s30+$0x5000] =	vst v3;
	v3 =	vshll.u32 v9, $0x9  }
0x12c: {  	[tilespmem:s30+$0x6000] =	vst v57;
	v3 =	vor.u32 v0, v3  }
0x12d: {  	[tilespmem:s30+$0x6800] =	vst v2;
	v59 =	vor.u32 v5, v3  }
0x12e: {  	v2 =	vor.u32 v6, v3;
	[tilespmem:s30+$0x1000] =	vst v59;
	v3 =	vshll.u32 v18, $0x9;
	v60 =	vsub.f32 v8, v19  }
0x12f: {  	[tilespmem:s30+$0x2000] =	vst v2;
	v2 =	vor.u32 v0, v3  }
0x130: {  	v61 =	vsub.f32 v21, v8;
	v3 =	vor.u32 v15, v2;
	[tilespmem:s26+$0x5800] =	vst v60  }
0x131: {  	[tilespmem:s26+$0x1800] =	vst v3  }
0x132: {  	v63 =	vsub.f32 v7, v20;
	v2 =	vor.u32 v17, v2;
	[tilespmem:s26+$0x5000] =	vst v61  }
0x133: {  	s31 =	sadd.s32 $0x2000, s28;
	v62 =	vsub.f32 v22, v7;
	v3 =	vshll.u32 v16, $0x9;
	[tilespmem:s26+$0x2800] =	vst v2  }
0x134: {  	s30 =	sand.u32 $0x3F000, s31;
	[tilespmem:s26+$0x6800] =	vst v63;
	v3 =	vor.u32 v0, v3  }
0x135: {  	s30 =	sor.u32 s6, s30;
	[tilespmem:s26+$0x6000] =	vst v62;
	v2 =	vor.u32 v15, v3  }
0x136: {  	s30 =	sshrl.u32 s30, $0x3;
	v3 =	vor.u32 v17, v3;
	[tilespmem:s26+$0x1000] =	vst v2  }
0x137: {  	s31 =	sadd.s32 s5, s30;
	[tilespmem:s26+$0x2000] =	vst v3  }
0x138: {  	[tilespmem:s3], [sflag:$0x3] =	stream.linear.gather [hbm4b:s31+s3], $0x800, $0x38;
	[tilespmem:$0xF800] =	vst v63  }
0x139: {  	s0 =	spop (v2sf)  }
0x13a: {  	s31 =	sadd.s32 s1, s30;
	p0 =	sgt.f32 s0, $0.0e+00  }
0x13b: {  	[tilespmem:s17], [sflag:$0x3] =	stream.linear.gather [hbm4b:s31+s3], $0x800, $0x38;
	[tilespmem:$0xF800] =	vst v63  }
0x13c: {  	s30 =	simm.s32 @p0 $0x800;
	s26 =	simm.s32 @p0 $0x1000;
	s31 =	simm.s32 @p0 $0x3000  }
0x13d: {  	[tilespmem:s31], [sflag:$0x1] =	stream.indirect.gather @p0 [hbm4b:s4+s30], $0x1, s26, s30, $0xb8;
	[tilespmem:$0xF800] =	vst v63  }
0x13e: {  	s26 =	simm.s32 @p0 $0x1800;
	s31 =	simm.s32 @p0 $0x3800  }
0x13f: {  	[tilespmem:s31], [sflag:$0x1] =	stream.indirect.gather @p0 [hbm4b:s4+s30], $0x1, s26, s30, $0xb8;
	[tilespmem:$0xF800] =	vst v63  }
0x140: {  	s26 =	simm.s32 @p0 $0x2000;
	s31 =	simm.s32 @p0 $0x4000  }
0x141: {  	[tilespmem:s31], [sflag:$0x1] =	stream.indirect.gather @p0 [hbm4b:s4+s30], $0x1, s26, s30, $0xb8;
	[tilespmem:$0xF800] =	vst v63  }
0x142: {  	p2 =	seq.s32 s29, $0x0;
	s26 =	simm.s32 $0x1  }
0x143: {  	s0 =	simm.s32 @p0 $0x4800;
	s31 =	simm.s32 @p0 $0x2800;
	s26 =	simm.s32 @!p0 $0x0  }
0x144: {  	[tilespmem:s0], [sflag:$0x1] =	stream.indirect.gather @p0 [hbm4b:s4+s30], $0x1, s31, s30, $0xb8;
	[tilespmem:$0xF800] =	vst v63  }
0x145: {  	[smem:$0x0] =	sst s26;
	s0 =	simm.s32 @!p2 $0x2  }
0x146: {  	_ =	swait.ge @!p2 [sflag:s0], $0x800  }
0x147: {  	[sflag:s0] =	ssyncset.done @!p2 $0x0  }
0x148: {  	[sflag:s0] =	ssyncadd.s32 @!p2 $0xFFFFF800  }
0x149: {  	_ =	swait.ge @!p2 [sflag:s0], $0x800  }
0x14a: {  	[sflag:s0] =	ssyncset.done @!p2 $0x0  }
0x14b: {  	[sflag:s0] =	ssyncadd.s32 @!p2 $0xFFFFF800  }
0x14c: {  	_ =	swait.ge @!p2 [sflag:s0], $0x800  }
0x14d: {  	[sflag:s0] =	ssyncset.done @!p2 $0x0  }
0x14e: {  	[sflag:s0] =	ssyncadd.s32 @!p2 $0xFFFFF800  }
0x14f: {  	_ =	swait.ge @!p2 [sflag:s0], $0x800  }
.Ltmp7:
0x150: {  	[sflag:s0] =	ssyncset.done @!p2 $0x0;
	(pc) =	sbr.rel @p2 .LBB2_16-.Ltmp7, $4  }
0x151: {  	[sflag:s0] =	ssyncadd.s32 @!p2 $0xFFFFF800;
	s0 =	simm.s32 @!p1 $0x6  }
0x152: {  	_ =	swait.ge @!p1 [sflag:s0], $0x800  }
0x153: {  	[sflag:s0] =	ssyncset.done @!p1 $0x0  }
0x154: {  	[sflag:s0] =	ssyncadd.s32 @!p1 $0xFFFFF800  }
0x155: {  	s29 =	simm.s32 $0x0  }
0x156: {  	v5 =	vld [tilespmem:s29+$0xA800]  }
0x157: {  	v7 =	vld [tilespmem:s29+$0xB000]  }
0x158: {  	v8 =	vld [tilespmem:s29+$0xB800]  }
0x159: {  	v9 =	vld [tilespmem:s29+$0xD800]  }
0x15a: {  	v10 =	vld [tilespmem:s29+$0xE000]  }
0x15b: {  	v11 =	vld [tilespmem:s29+$0xC000]  }
0x15c: {  	v2 =	vld [tilespmem:s29+$0xC800]  }
0x15d: {  	s30 =	simm.s32 $0x10;
	v3 =	vld [tilespmem:s29+$0xD000]  }
0x15e: {  	v6 =	vld [tilespmem:s30+$0xA800]  }
0x15f: {  	v4 =	vld [tilespmem:s30+$0xB000];
	v12 =	vmul.f32 v9, v5;
	v13 =	vmul.f32 v10, v7  }
0x160: {  	v5 =	vld [tilespmem:s30+$0xB800];
	v9 =	vmul.f32 v9, v8;
	v11 =	vmul.f32 v10, v11  }
0x161: {  	v8 =	vld [tilespmem:s30+$0xD800]  }
0x162: {  	s31 =	simm.s32 $0x80;
	v7 =	vld [tilespmem:s30+$0xE000];
	v10 =	vadd.f32 v13, v12;
	v9 =	vadd.f32 v11, v9  }
.LBB2_18:
0x163: {  	p1 =	sne.s32 s31, $0x1FC0;
	v11 =	vld [tilespmem:s30+$0xC000];
	v12 =	vmov v6  }
0x164: {  	v10 =	vmul.f32 v10, v2;
	v2 =	vld [tilespmem:s30+$0xC800];
	v9 =	vmul.f32 v9, v3  }
0x165: {  	s0 =	sshra.s32 s31, $0x2;
	v3 =	vld [tilespmem:s30+$0xD000]  }
.Ltmp8:
0x166: {  	v6 =	vld [tilespmem:s0+$0xA800];
	v9 =	vadd.f32 v9, v10;
	(pc) =	sbr.rel @p1 .LBB2_18-.Ltmp8, $4  }
0x167: {  	v10 =	vmul.f32 v8, v12;
	v12 =	vmul.f32 v7, v4;
	v4 =	vld [tilespmem:s0+$0xB000]  }
0x168: {  	v13 =	vmul.f32 v8, v5;
	v5 =	vld [tilespmem:s0+$0xB800];
	v11 =	vmul.f32 v7, v11;
	[tilespmem:s29+$0xE800] =	vst v9;
	s29 =	smov.u32 s30;
	s30 =	smov.u32 s0  }
0x169: {  	v8 =	vld [tilespmem:s30+$0xD800]  }
0x16a: {  	s31 =	sadd.s32 $0x40, s31;
	v10 =	vadd.f32 v12, v10;
	v7 =	vld [tilespmem:s30+$0xE000];
	v9 =	vadd.f32 v11, v13  }
0x16b: {  	v11 =	vld [tilespmem:s30+$0xC000];
	_ =	sdelay $0x2  }
0x16c: {  	v12 =	vld [tilespmem:s30+$0xC800]  }
0x16d: {  	v62 =	vld [tilespmem:s30+$0xD000];
	v6 =	vmul.f32 v8, v6;
	v5 =	vmul.f32 v8, v5  }
0x16e: {  	v4 =	vmul.f32 v7, v4;
	v63 =	vmul.f32 v7, v11;
	_ =	sdelay $0x1  }
0x16f: {  	v4 =	vadd.f32 v4, v6;
	v5 =	vadd.f32 v63, v5  }
0x170: {  	v2 =	vmul.f32 v10, v2;
	v3 =	vmul.f32 v9, v3  }
.Ltmp9:
0x171: {  	v4 =	vmul.f32 v4, v12;
	v5 =	vmul.f32 v5, v62;
	(pc) =	sbr.rel .LBB2_20-.Ltmp9, $4  }
0x172: {  	v2 =	vadd.f32 v3, v2  }
0x173: {  	v3 =	vadd.f32 v5, v4  }
0x174: {  	[tilespmem:s29+$0xE800] =	vst v2  }
0x175: {  	s29 =	simm.s32 $0xE800;
	[tilespmem:s30+$0xE800] =	vst v3  }
.LBB2_16:
0x176: {  	s29 =	simm.s32 $0xF000  }
.LBB2_20:
0x177: {  	s0 =	sor.u32 $0x800, s28  }
0x178: {  	s0 =	sadd.s32 s6, s0  }
0x179: {  	s0 =	sshrl.u32 s0, $0x3  }
0x17a: {  	s30 =	simm.s32 $0x0;
	s0 =	sadd.s32 s7, s0  }
0x17b: {  	[hbm4b:s0+s30] =	stream.linear.scatter [tilespmem:s29], [sflag:$0x6], $0x800, $0x38;
	[tilespmem:$0xF800] =	vst v63  }
0x17c: {  	_ =	swait.ge [sflag:s21], $0x800  }
0x17d: {  	[sflag:s21] =	ssyncset.done $0x0  }
0x17e: {  	[sflag:s21] =	ssyncadd.s32 $0xFFFFF800  }
0x17f: {  	_ =	swait.ge [sflag:s21], $0x800  }
0x180: {  	[sflag:s21] =	ssyncset.done $0x0  }
0x181: {  	s30 =	simm.s32 $0x0;
	[sflag:s21] =	ssyncadd.s32 $0xFFFFF800  }
0x182: {  	v3 =	vld [tilespmem:s30+$0x7800]  }
0x183: {  	v2 =	vld [tilespmem:s30+$0x8000];
	_ =	sdelay $0x3  }
0x184: {  	v4 =	vtrunc.f32 v3  }
0x185: {  	v5 =	vcvt.f32.s32 v4;
	v4 =	vtrunc.f32 v2  }
0x186: {  	v6 =	vcvt.f32.s32 v4  }
0x187: {  	v4 =	vimm.f32 $0.0e+00;
	vm0 =	vgt.s32 v5, $0x0  }
0x188: {  	v7 =	vadd.s32 $0x1, v5;
	vm1 =	vgt.s32 v6, $0x0;
	v8 =	vadd.s32 $0x1, v6  }
0x189: {  	v5 =	vnsel vm0, $0x0, v5;
	vm14 =	vgt.s32 v7, $0x0;
	v6 =	vnsel vm1, $0x0, v6  }
0x18a: {  	v5 =	vmin.u32 v5, $0x1FF;
	vm15 =	vgt.s32 v8, $0x0;
	v9 =	vmin.u32 v6, $0x1FF  }
0x18b: {  	s29 =	simm.s32 $0x10;
	v6 =	vnsel vm14, $0x0, v7;
	v7 =	vnsel vm15, $0x0, v8;
	v11 =	vcvt.s32.f32 v5  }
0x18c: {  	v8 =	vld [tilespmem:s29+$0x7800];
	v6 =	vmin.u32 v6, $0x1FF;
	v12 =	vmin.u32 v7, $0x1FF;
	v10 =	vcvt.s32.f32 v9  }
0x18d: {  	s31 =	simm.s32 $0x80;
	v7 =	vld [tilespmem:s29+$0x8000];
	v14 =	vshll.u32 v12, $0x9;
	v13 =	vcvt.s32.f32 v6;
	v12 =	vcvt.s32.f32 v12  }
.LBB2_21:
0x18e: {  	p1 =	sne.s32 s31, $0x1FC0;
	v9 =	vshll.u32 v9, $0x9;
	v14 =	vor.u32 v0, v14;
	v15 =	vsub.f32 v3, v11  }
0x18f: {  	v9 =	vor.u32 v0, v9;
	v11 =	vsub.f32 v13, v11;
	v16 =	vsub.f32 v12, v10  }
0x190: {  	v17 =	vor.u32 v5, v14;
	v13 =	vsub.f32 v13, v3;
	v12 =	vsub.f32 v12, v2;
	[tilespmem:s30+$0xD000] =	vst v15  }
0x191: {  	v10 =	vsub.f32 v2, v10;
	v15 =	vtrunc.f32 v8;
	[tilespmem:s30+$0x9000] =	vst v17;
	v11 =	vmul.f32 v16, v11;
	v3 =	vmovc v8  }
0x192: {  	v14 =	vor.u32 v6, v14;
	v8 =	vcvt.f32.s32 v15;
	v15 =	vtrunc.f32 v7;
	[tilespmem:s30+$0xC800] =	vst v13;
	v2 =	vmovc v7  }
0x193: {  	v5 =	vor.u32 v5, v9;
	v7 =	vcvt.f32.s32 v15;
	[tilespmem:s30+$0xD800] =	vst v12;
	v4 =	vmax.f32 v4, v11  }
0x194: {  	v6 =	vor.u32 v6, v9;
	vm0 =	vgt.s32 v8, $0x0;
	[tilespmem:s30+$0xA000] =	vst v14  }
0x195: {  	v11 =	vadd.s32 $0x1, v8;
	vm1 =	vgt.s32 v7, $0x0;
	v12 =	vadd.s32 $0x1, v7;
	[tilespmem:s30+$0xE000] =	vst v10  }
.Ltmp10:
0x196: {  	v8 =	vnsel vm0, $0x0, v8;
	vm0 =	vgt.s32 v11, $0x0;
	v7 =	vnsel vm1, $0x0, v7;
	[tilespmem:s30+$0x8800] =	vst v5;
	(pc) =	sbr.rel @p1 .LBB2_21-.Ltmp10, $4  }
0x197: {  	v5 =	vmin.u32 v8, $0x1FF;
	vm1 =	vgt.s32 v12, $0x0;
	v9 =	vmin.u32 v7, $0x1FF;
	[tilespmem:s30+$0x9800] =	vst v6;
	s30 =	smov.u32 s29  }
0x198: {  	s29 =	sshra.s32 s31, $0x2;
	v6 =	vnsel vm0, $0x0, v11;
	v7 =	vnsel vm1, $0x0, v12;
	v11 =	vcvt.s32.f32 v5  }
0x199: {  	v6 =	vmin.u32 v6, $0x1FF;
	v12 =	vmin.u32 v7, $0x1FF;
	v10 =	vcvt.s32.f32 v9;
	v8 =	vld [tilespmem:s29+$0x7800]  }
0x19a: {  	s31 =	sadd.s32 $0x40, s31;
	v14 =	vshll.u32 v12, $0x9;
	v13 =	vcvt.s32.f32 v6;
	v12 =	vcvt.s32.f32 v12;
	v7 =	vld [tilespmem:s29+$0x8000]  }
0x19b: {  	_ =	sdelay $0x2  }
0x19c: {  	v15 =	vtrunc.f32 v8  }
0x19d: {  	v15 =	vcvt.f32.s32 v15;
	v16 =	vtrunc.f32 v7  }
0x19e: {  	v16 =	vcvt.f32.s32 v16  }
0x19f: {  	vm0 =	vgt.s32 v15, $0x0  }
0x1a0: {  	v17 =	vadd.s32 $0x1, v15;
	vm1 =	vgt.s32 v16, $0x0;
	v18 =	vadd.s32 $0x1, v16  }
0x1a1: {  	v15 =	vnsel vm0, $0x0, v15;
	vm14 =	vgt.s32 v17, $0x0;
	v16 =	vnsel vm1, $0x0, v16  }
0x1a2: {  	v15 =	vmin.u32 v15, $0x1FF;
	vm15 =	vgt.s32 v18, $0x0;
	v17 =	vnsel vm14, $0x0, v17  }
0x1a3: {  	v16 =	vmin.u32 v16, $0x1FF;
	v18 =	vnsel vm15, $0x0, v18;
	v19 =	vcvt.s32.f32 v15  }
0x1a4: {  	v17 =	vmin.u32 v17, $0x1FF;
	v18 =	vmin.u32 v18, $0x1FF;
	v20 =	vcvt.s32.f32 v16  }
0x1a5: {  	v21 =	vcvt.s32.f32 v17;
	v22 =	vcvt.s32.f32 v18  }
0x1a6: {  	v23 =	vsub.f32 v13, v11;
	v24 =	vsub.f32 v12, v10  }
0x1a7: {  	v25 =	vsub.f32 v21, v19;
	v26 =	vsub.f32 v22, v20  }
0x1a8: {  	v23 =	vmul.f32 v24, v23  }
0x1a9: {  	v52 =	vmul.f32 v26, v25  }
0x1aa: {  	v4 =	vmax.f32 v4, v23  }
0x1ab: {  	v4 =	vmax.f32 v4, v52  }
0x1ac: {  	(xrf0) =	vmax.scan.msk.f32 $0xffff, v4;
	_ =	sdelay $0x2  }
0x1ad: {  	v53 =	vsub.f32 v3, v11  }
0x1ae: {  	v54 =	vor.u32 v0, v14  }
0x1af: {  	v56 =	vor.u32 v5, v54;
	[tilespmem:s30+$0xD000] =	vst v53  }
0x1b0: {  	v3 =	vsub.f32 v13, v3;
	v58 =	vor.u32 v6, v54;
	[tilespmem:s30+$0x9000] =	vst v56;
	v55, _, _ =	vpop (xrf0)  }
0x1b1: {  	v57 =	vsub.f32 v12, v2;
	[tilespmem:s30+$0xA000] =	vst v58;
	(v2sf) =	vpush v55, $0xF  }
0x1b2: {  	v2 =	vsub.f32 v2, v10;
	[tilespmem:s30+$0xC800] =	vst v3;
	v3 =	vshll.u32 v9, $0x9  }
0x1b3: {  	[tilespmem:s30+$0xD800] =	vst v57;
	v3 =	vor.u32 v0, v3  }
0x1b4: {  	[tilespmem:s30+$0xE000] =	vst v2;
	v59 =	vor.u32 v5, v3  }
0x1b5: {  	v2 =	vor.u32 v6, v3;
	[tilespmem:s30+$0x8800] =	vst v59;
	v3 =	vshll.u32 v18, $0x9;
	v60 =	vsub.f32 v8, v19  }
0x1b6: {  	[tilespmem:s30+$0x9800] =	vst v2;
	v2 =	vor.u32 v0, v3  }
0x1b7: {  	v61 =	vsub.f32 v21, v8;
	v3 =	vor.u32 v15, v2;
	[tilespmem:s29+$0xD000] =	vst v60  }
0x1b8: {  	[tilespmem:s29+$0x9000] =	vst v3  }
0x1b9: {  	v63 =	vsub.f32 v7, v20;
	v2 =	vor.u32 v17, v2;
	[tilespmem:s29+$0xC800] =	vst v61  }
0x1ba: {  	s0 =	sadd.s32 $0x2800, s28;
	v62 =	vsub.f32 v22, v7;
	v3 =	vshll.u32 v16, $0x9;
	[tilespmem:s29+$0xA000] =	vst v2  }
0x1bb: {  	s0 =	sand.u32 $0x3F800, s0;
	[tilespmem:s29+$0xE000] =	vst v63;
	v3 =	vor.u32 v0, v3  }
0x1bc: {  	s0 =	sor.u32 s6, s0;
	[tilespmem:s29+$0xD800] =	vst v62;
	v2 =	vor.u32 v15, v3  }
0x1bd: {  	s0 =	sshrl.u32 s0, $0x3;
	v3 =	vor.u32 v17, v3;
	[tilespmem:s29+$0x8800] =	vst v2  }
0x1be: {  	[tilespmem:s29+$0x9800] =	vst v3;
	s29 =	sadd.s32 s5, s0  }
0x1bf: {  	[tilespmem:s19], [sflag:$0x4] =	stream.linear.gather [hbm4b:s29+s3], $0x800, $0x38;
	[tilespmem:$0xF800] =	vst v63  }
0x1c0: {  	s31 =	spop (v2sf)  }
0x1c1: {  	s0 =	sadd.s32 s1, s0;
	p1 =	sgt.f32 s31, $0.0e+00  }
0x1c2: {  	[tilespmem:s20], [sflag:$0x4] =	stream.linear.gather [hbm4b:s0+s3], $0x800, $0x38;
	[tilespmem:$0xF800] =	vst v63  }
0x1c3: {  	s0 =	simm.s32 @p1 $0x800;
	s28 =	simm.s32 @p1 $0x8800;
	s29 =	simm.s32 @p1 $0xA800  }
0x1c4: {  	[tilespmem:s29], [sflag:$0x2] =	stream.indirect.gather @p1 [hbm4b:s4+s0], $0x1, s28, s0, $0xb8;
	[tilespmem:$0xF800] =	vst v63  }
0x1c5: {  	s25 =	sadd.s32 $0x1, s25;
	s28 =	simm.s32 @p1 $0x9000;
	s29 =	simm.s32 @p1 $0xB000  }
0x1c6: {  	[tilespmem:s29], [sflag:$0x2] =	stream.indirect.gather @p1 [hbm4b:s4+s0], $0x1, s28, s0, $0xb8;
	[tilespmem:$0xF800] =	vst v63  }
0x1c7: {  	p2 =	sne.s32 s25, $0x40;
	s28 =	simm.s32 @p1 $0x9800;
	s29 =	simm.s32 @p1 $0xB800  }
0x1c8: {  	[tilespmem:s29], [sflag:$0x2] =	stream.indirect.gather @p1 [hbm4b:s4+s0], $0x1, s28, s0, $0xb8;
	[tilespmem:$0xF800] =	vst v63  }
.Ltmp11:
0x1c9: {  	s28 =	simm.s32 @p1 $0xA000;
	s29 =	simm.s32 @p1 $0xC000;
	(pc) =	sbr.rel @p2 .LBB2_8-.Ltmp11, $4  }
0x1ca: {  	[tilespmem:s29], [sflag:$0x2] =	stream.indirect.gather @p1 [hbm4b:s4+s0], $0x1, s28, s0, $0xb8;
	[tilespmem:$0xF800] =	vst v63  }
0x1cb: {  	s29 =	simm.s32 $0x1  }
0x1cc: {  	s29 =	simm.s32 @!p1 $0x0  }
0x1cd: {  	[smem:$0x1] =	sst s29  }
0x1ce: {  	_ =	swait.ge [sflag:s22], $0x800  }
0x1cf: {  	[sflag:s22] =	ssyncset.done $0x0  }
0x1d0: {  	s0 =	simm.s32 @p0 $0x1;
	[sflag:s22] =	ssyncadd.s32 $0xFFFFF800  }
0x1d1: {  	_ =	swait.ge @p0 [sflag:s0], $0x800  }
0x1d2: {  	[sflag:s0] =	ssyncset.done @p0 $0x0  }
0x1d3: {  	[sflag:s0] =	ssyncadd.s32 @p0 $0xFFFFF800  }
0x1d4: {  	_ =	swait.ge @p0 [sflag:s0], $0x800  }
0x1d5: {  	[sflag:s0] =	ssyncset.done @p0 $0x0  }
0x1d6: {  	[sflag:s0] =	ssyncadd.s32 @p0 $0xFFFFF800  }
0x1d7: {  	_ =	swait.ge @p0 [sflag:s0], $0x800  }
0x1d8: {  	[sflag:s0] =	ssyncset.done @p0 $0x0  }
0x1d9: {  	[sflag:s0] =	ssyncadd.s32 @p0 $0xFFFFF800  }
0x1da: {  	_ =	swait.ge @p0 [sflag:s0], $0x800  }
0x1db: {  	[sflag:s0] =	ssyncset.done @p0 $0x0  }
0x1dc: {  	[sflag:s0] =	ssyncadd.s32 @p0 $0xFFFFF800  }
0x1dd: {  	_ =	swait.ge [sflag:s18], $0x800  }
0x1de: {  	[sflag:s18] =	ssyncset.done $0x0  }
0x1df: {  	[sflag:s18] =	ssyncadd.s32 $0xFFFFF800  }
0x1e0: {  	_ =	swait.ge [sflag:s18], $0x800  }
0x1e1: {  	[sflag:s18] =	ssyncset.done $0x0  }
0x1e2: {  	[sflag:s18] =	ssyncadd.s32 $0xFFFFF800  }
0x1e3: {  	_ =	swait.ge [sflag:s23], $0x800  }
0x1e4: {  	[sflag:s23] =	ssyncset.done $0x0  }
0x1e5: {  	s0 =	simm.s32 @p1 $0x2;
	[sflag:s23] =	ssyncadd.s32 $0xFFFFF800  }
0x1e6: {  	_ =	swait.ge @p1 [sflag:s0], $0x800  }
0x1e7: {  	[sflag:s0] =	ssyncset.done @p1 $0x0  }
0x1e8: {  	[sflag:s0] =	ssyncadd.s32 @p1 $0xFFFFF800  }
0x1e9: {  	_ =	swait.ge @p1 [sflag:s0], $0x800  }
0x1ea: {  	[sflag:s0] =	ssyncset.done @p1 $0x0  }
0x1eb: {  	[sflag:s0] =	ssyncadd.s32 @p1 $0xFFFFF800  }
0x1ec: {  	_ =	swait.ge @p1 [sflag:s0], $0x800  }
0x1ed: {  	[sflag:s0] =	ssyncset.done @p1 $0x0  }
0x1ee: {  	[sflag:s0] =	ssyncadd.s32 @p1 $0xFFFFF800  }
0x1ef: {  	_ =	swait.ge @p1 [sflag:s0], $0x800  }
0x1f0: {  	[sflag:s0] =	ssyncset.done @p1 $0x0  }
0x1f1: {  	s24 =	sadd.s32 $0x1, s24;
	[sflag:s0] =	ssyncadd.s32 @p1 $0xFFFFF800  }
0x1f2: {  	p0 =	sne.s32 s24, s16;
	_ =	swait.ge [sflag:s21], $0x800  }
.Ltmp12:
0x1f3: {  	[sflag:s21] =	ssyncset.done $0x0;
	(pc) =	sbr.rel @p0 .LBB2_1-.Ltmp12, $4  }
0x1f4: {  	[sflag:s21] =	ssyncadd.s32 $0xFFFFF800  }
0x1f5: {  	_ =	swait.ge [sflag:s21], $0x800  }
0x1f6: {  	[sflag:s21] =	ssyncset.done $0x0  }
0x1f7: {  	[sflag:s21] =	ssyncadd.s32 $0xFFFFF800  }
0x1f8: {  	_ =	sfence.sel $0x180000  }
0x1f9: {  	[bflag:$0x0] =	sbarrier.arrive $0xFFFF  }
0x1fa: {  	_ =	strace $0x9000004A  }
0x1fb: {  	[bflag:$0x2] =	sbarrier.arrive $0xFFFF  }
0x1fc: {  	p0 =	sne.s32 s2, $0x0;
	s0 =	rddreg [dreg:$0x2]  }
0x1fd: {  	s0 =	sadd.s32 @!p0 $0x100000, s0  }
0x1fe: {  	[sflag:s0] =	ssyncadd.tile.s32 @!p0 $0x1;
	_ =	shalt  }
.Lfunc_end2:
_tile_overlayer_lowered:
.L_overlay_start_2:
0x1ff: {  	(tag) =	ssettag $0x2  }
0x200: {  	s0 =	rddreg [dreg:$0x0];
	s2 =	stileid.u32  }
0x201: {  	s1 =	rddreg [dreg:$0x1];
	p0 =	sne.s32 s2, $0x0  }
0x202: {  	s3 =	rddreg [dreg:$0x2];
	[bflag:$0x3] =	sbarrier.arrive $0xFFFF;
	s2 =	simm.s32 @!p0 $0x1C07  }
0x203: {  	[timem:s3], [sflag:s2] =	dma.local @!p0 [hbm:s0], s1  }
0x204: {  	s0 =	simm.s32 @!p0 $0x7  }
0x205: {  	_ =	swait.ge @!p0 [sflag:s0], s1  }
0x206: {  	s1 =	ssub.s32 @!p0 $0x0, s1;
	[sflag:s0] =	ssyncset.done @!p0 $0x0  }
0x207: {  	[sflag:s0] =	ssyncadd.s32 @!p0 s1  }
0x208: {  	[bflag:$0x3] =	sbarrier.arrive $0xFFFF  }
0x209: {  	_ =	shalt  }

// kernel: sparse-core-data-format-call.cloned.1.call-start
scs
called_computation_lowered:
.L_overlay_start_0:
0x0: {  	s2 =	sld [smem:$0x3FD9]  }
0x1: {  	s3 =	sld [smem:$0x3FFE];
	_ =	sdelay $0x1  }
0x2: {  	s1 =	srdreg.scid  }
0x3: {  	s0 =	sand.u32 $0x1, s1  }
0x4: {  	s18 =	sshll.u32 s0, $0xA;
	s2 =	sadd.s32 s3, s2  }
0x5: {  	s2 =	sadd.s32 s2, s18  }
0x6: {  	[smem:$0x3FC6] =	sst s2  }
0x7: {  	_ = 	snop  }
0x8: {  	s2 =	sld [smem:$0x3FC9];
	(tm) =	ssettm $0x1  }
0x9: {  	s19 =	sld [smem:$0x3FFB];
	_ =	sdelay $0x3  }
0xa: {  	_ =	strace s19  }
0xb: {  	s3 =	sld [smem:$0x3FFC];
	_ =	sdelay $0x3  }
0xc: {  	_ =	strace s3  }
0xd: {  	s3 =	sld [smem:$0x3FFD];
	_ =	sdelay $0x3  }
0xe: {  	_ =	strace s3  }
0xf: {  	_ =	strace $0x8FFFFFFF  }
0x10: {  	s20 =	sld [smem:$0x3FDB];
	_ =	sdelay $0x1  }
0x11: {  	s4 =	simm.s32 $_scs_section_size  }
0x12: {  	s5 =	simm.s32 $_size__tile_overlayer_lowered;
	s6 =	simm.s32 $_tile_overlayer_lowered  }
0x13: {  	s23 =	simm.s32 $0x1BFF;
	s22 =	sshll.u32 s6, $0x1;
	s3 =	sadd.s32 s4, s20  }
0x14: {  	s7 =	simm.s32 $0x0;
	s21 =	sshll.u32 s5, $0x1;
	s5 =	sadd.s32 s22, s3  }
0x15: {  	[timem:s7], [sflag:s23] =	dma.local [hbm:s5], s21  }
0x16: {  	_ =	swait.ge [sflag:s23], s21  }
0x17: {  	s4 =	ssub.s32 $0x0, s21;
	[sflag:s23] =	ssyncset.done $0x0  }
0x18: {  	[sflag:s23] =	ssyncadd.s32 s4;
	_ =	sdelay $0x1  }
0x19: {  	s24 =	simm.s32 $0x1B8B  }
0x1a: {  	_ =	swait.ge [sflag:s24], $0x1  }
0x1b: {  	[sflag:s24] =	ssyncset.done $0x0  }
0x1c: {  	s26 =	simm.s32 $0x1B8E;
	s25 =	sld [smem:$0x3FFE];
	[sflag:s24] =	ssyncadd.s32 $0xFFFFFFFF  }
0x1d: {  	s27 =	simm.s32 $execute0_lowered;
	[smem:$0x3FD2] =	sst s26  }
0x1e: {  	s5 =	sshll.u32 s27, $0x1;
	_ =	strace $0x80000046;
	[dreg:$0x1] =	wrdreg $0xFFFFFFFF  }
0x1f: {  	s28 =	simm.s32 $_size_execute0_lowered;
	s3 =	sadd.s32 s3, s5;
	[dreg:$0x0] =	wrdreg $0x0  }
0x20: {  	s5 =	sshll.u32 s28, $0x1;
	[dreg:$0x2] =	wrdreg s3  }
0x21: {  	[dreg:$0x3] =	wrdreg s5  }
0x22: {  	[dreg:$0x4] =	wrdreg $0xC0  }
0x23: {  	_ =	task [dreg:s7], $0x5FFFF  }
0x24: {  	[dreg:$0x1] =	wrdreg $0xFFFFFFFF  }
0x25: {  	[dreg:$0x0] =	wrdreg $0x60  }
0x26: {  	[dreg:$0x2] =	wrdreg s2  }
0x27: {  	[dreg:$0x3] =	wrdreg s25  }
0x28: {  	[dreg:$0x4] =	wrdreg $0x9  }
0x29: {  	_ =	task.clear_ibuf [dreg:s7], $0x5FFFF;
	_ =	strace $0x90000046  }
0x2a: {  	s29 =	simm.s32 $0x9;
	_ =	strace $0x80000048  }
0x2b: {  	_ =	swait.ge [sflag:s29], $0x1  }
0x2c: {  	[sflag:s29] =	ssyncadd.s32 $0xFFFFFFFF  }
0x2d: {  	_ =	strace $0x90000048  }
0x2e: {  	_ =	sfence  }
0x2f: {  	s30 =	sld [smem:$0x0];
	_ =	sdelay $0x2  }
0x30: {  	s31 =	sshll.u32 s1, $0xD;
	s1 =	sshrl.u32 s1, $0x2  }
0x31: {  	s3 =	sand.u32 $0x4000, s31;
	s1 =	sadd.s32 s1, s30  }
0x32: {  	s0 =	sor.u32 s3, s0;
	s1 =	sshll.u32 s1, $0x11  }
0x33: {  	s0 =	sor.u32 s1, s0  }
0x34: {  	s0 =	sadd.s32 $0x8F2B, s0  }
0x35: {  	[sflag:s0] =	ssyncadd.remote.s32 $0x1  }
0x36: {  	_ =	sfence.sel $0xFFFF  }
0x37: {  	[dreg:$0x0] =	wrdreg $0xFFFFFFFF;
	(pc) =	sbr.abs _section_cstart, $3  }
0x38: {  	[dreg:$0x1] =	wrdreg $0xFFFFFFFF  }
0x39: {  	_ =	task.clear_ibuf [dreg:s7], $0x2FFFF;
	_ =	strace $0x9FFFFFFF  }
0x3a: {  	(tm) =	ssettm $0x7FFFFFFF  }
0x3b: {  	_ =	shalt  }
tec
execute0_lowered:
.L_overlay_start_1:
0x0: {  	(tag) =	ssettag $0x1  }
0x1: {  	s0 =	srdreg.scid  }
0x2: {  	s1 =	sshll.u32 s0, $0x4  }
0x3: {  	s2 =	rddreg [dreg:$0x0];
	s0 =	stileid.u32;
	s1 =	sand.u32 $0x10, s1  }
0x4: {  	s4 =	rddreg [dreg:$0x1];
	s7 =	simm.s32 $0x1;
	s1 =	sor.u32 s0, s1  }
0x5: {  	s8 =	simm.s32 $0x2;
	s9 =	simm.s32 $0x0;
	s3 =	sshll.u32 s1, $0x2  }
0x6: {  	s12 =	simm.s32 $0x0;
	s11 =	simm.s32 $0x0;
	s6 =	ssub.s32 $0x800, s3  }
.Ltmp0:
0x7: {  	s4 =	sadd.s32 $0xE00, s4;
	s5 =	sand.u32 $0x7C, s6;
	(pc) =	sbr.rel .LBB1_1-.Ltmp0, $4  }
0x8: {  	s1 =	rddreg [dreg:$0x2];
	_ =	strace $0x80000047;
	p0 =	sne.s32 s5, $0x0  }
0x9: {  	s6 =	sshrl.u32 s6, $0x7;
	s5 =	simm.s32 $0x1;
	s7 =	simm.s32 @!p0 $0x0  }
0xa: {  	s10 =	smov.u32 s3;
	[sflag:s5] =	ssyncpa.u1 $0x0;
	s6 =	sadd.s32 s7, s6  }
0xb: {  	[sflag:s8] =	ssyncpa.u1 $0x0;
	s8 =	simm.s32 $0x0;
	s7 =	sadd.s32 $0x1, s6  }
.LBB1_9:
0xc: {  	s14 =	sadd.s32 $0x80, s10  }
0xd: {  	p1 =	sgt.s32 s14, $0x7FF  }
0xe: {  	s14 =	smov.u32 @p1 s3;
	p1 =	sne.s32 s11, s7  }
.Ltmp1:
0xf: {  	p0 =	slt.u32 s11, $0x2;
	(pc) =	sbr.rel @!p1 .LBB1_10-.Ltmp1, $4  }
0x10: {  	s13 =	simm.s32 @!p0 $0x2  }
0x11: {  	s15 =	sadd.s32 $0x1, s11;
	_ =	swait.ge @!p0 [sflag:s13], $0x4000  }
0x12: {  	s12 =	smov.u32 s10;
	s9 =	sadd.s32 $0x4000, s9;
	[sflag:s13] =	ssyncset.done @!p0 $0x0  }
0x13: {  	s11 =	smov.u32 s15;
	s10 =	smov.u32 s14;
	[sflag:s13] =	ssyncadd.s32 @!p0 $0xFFFFC000  }
.LBB1_1:
0x14: {  	p0 =	sge.u32 s11, s6  }
0x15: {  	s13 =	sxor.u32 @!p0 $0xFFFFFFFF, s11  }
0x16: {  	s31 =	sadd.s32 $0xFFFFFFFF, s11;
	s14 =	sshll.u32 @!p0 s10, $0x9;
	s13 =	sshll.u32 @!p0 s13, $0xE  }
0x17: {  	s15 =	simm.s32 @!p0 $0x0;
	s14 =	sadd.s32 @!p0 s2, s14;
	s13 =	sand.u32 @!p0 $0x4000, s13  }
0x18: {  	[tilespmem:s13], [sflag:$0x1] =	stream.linear.gather @!p0 [hbm4b:s14+s15], $0x4000, $0x38;
	[tilespmem:$0x10000] =	vst v63  }
0x19: {  	p0 =	sge.u32 s31, s6  }
.Ltmp2:
0x1a: {  	_ = 	snop;
	(pc) =	sbr.rel @p0 .LBB1_9-.Ltmp2, $1  }
0x1b: {  	_ =	sdelay $0x3  }
0x1c: {  	s14 =	sand.u32 $0x4000, s9  }
0x1d: {  	_ =	swait.ge [sflag:s5], $0x4000;
	s15 =	sshll.u32 s11, $0xE;
	s16 =	simm.s32 $0x0  }
0x1e: {  	s13 =	sor.u32 $0x40, s14;
	[sflag:s5] =	ssyncset.done $0x0;
	s15 =	sand.u32 $0x4000, s15  }
0x1f: {  	s14 =	sor.u32 $0x8040, s14;
	[sflag:s5] =	ssyncadd.s32 $0xFFFFC000;
	s15 =	sor.u32 $0x8000, s15  }
.LBB1_3:
0x20: {  	s17 =	smov.u32 s14;
	s18 =	smov.u32 s13;
	s19 =	simm.s32 $0x0  }
.LBB1_4:
0x21: {  	v0 =	vmov s17;
	v2 =	vld [tilespmem:s18+$0x30]  }
0x22: {  	v4 =	vld [tilespmem:s18+$0xFFFFFFD0]  }
0x23: {  	v6 =	vld [tilespmem:s18+$0xFFFFFFE0]  }
0x24: {  	v7 =	vld [tilespmem:s18+$0xFFFFFFF0]  }
0x25: {  	s20 =	simm.s32 $0x0;
	v1 =	vld [tilespmem:s18+$0x0]  }
0x26: {  	v3 =	vld [tilespmem:s18+$0x10];
	[tilespmem:v0+s20+$0x30 ss:$0x1] =	vst.idx.msk $0xffff, v2  }
0x27: {  	v5 =	vld [tilespmem:s18+$0x20];
	[tilespmem:v0+s20+$0xFFFFFFD0 ss:$0x1] =	vst.idx.msk $0xffff, v4  }
0x28: {  	s21 =	sadd.s32 $0x80, s18;
	v2 =	vld [tilespmem:s18+$0xFFFFFFC0];
	[tilespmem:v0+s20+$0xFFFFFFE0 ss:$0x1] =	vst.idx.msk $0xffff, v6  }
0x29: {  	s22 =	simm.s32 $0x800;
	s23 =	simm.s32 $0x1000;
	v4 =	vld [tilespmem:s21+$0x30];
	[tilespmem:v0+s20+$0xFFFFFFF0 ss:$0x1] =	vst.idx.msk $0xffff, v7  }
.LBB1_5:
0x2a: {  	p0 =	sne.s32 s23, $0x3800;
	v6 =	vld [tilespmem:s21+$0xFFFFFFD0];
	[tilespmem:v0+s20+$0x0 ss:$0x1] =	vst.idx.msk $0xffff, v1  }
0x2b: {  	v7 =	vld [tilespmem:s21+$0xFFFFFFE0];
	[tilespmem:v0+s20+$0x10 ss:$0x1] =	vst.idx.msk $0xffff, v3  }
0x2c: {  	v8 =	vld [tilespmem:s21+$0xFFFFFFF0];
	[tilespmem:v0+s20+$0x20 ss:$0x1] =	vst.idx.msk $0xffff, v5  }
.Ltmp3:
0x2d: {  	v1 =	vld [tilespmem:s21+$0x0];
	[tilespmem:v0+s20+$0xFFFFFFC0 ss:$0x1] =	vst.idx.msk $0xffff, v2;
	s20 =	sshra.s32 s22, $0x2;
	s22 =	smov.u32 s23;
	(pc) =	sbr.rel @p0 .LBB1_5-.Ltmp3, $4  }
0x2e: {  	v3 =	vld [tilespmem:s21+$0x10];
	[tilespmem:v0+s20+$0x30 ss:$0x1] =	vst.idx.msk $0xffff, v4  }
0x2f: {  	[tilespmem:v0+s20+$0xFFFFFFD0 ss:$0x1] =	vst.idx.msk $0xffff, v6;
	v5 =	vld [tilespmem:s21+$0x20]  }
0x30: {  	v2 =	vld [tilespmem:s21+$0xFFFFFFC0];
	[tilespmem:v0+s20+$0xFFFFFFE0 ss:$0x1] =	vst.idx.msk $0xffff, v7;
	s21 =	sadd.s32 $0x80, s21  }
0x31: {  	s23 =	sadd.s32 $0x800, s23;
	v4 =	vld [tilespmem:s21+$0x30];
	[tilespmem:v0+s20+$0xFFFFFFF0 ss:$0x1] =	vst.idx.msk $0xffff, v8  }
0x32: {  	_ =	sdelay $0x3  }
0x33: {  	v6 =	vld [tilespmem:s21+$0xFFFFFFD0];
	[tilespmem:v0+s20+$0x0 ss:$0x1] =	vst.idx.msk $0xffff, v1  }
0x34: {  	v58 =	vld [tilespmem:s21+$0xFFFFFFE0];
	[tilespmem:v0+s20+$0x10 ss:$0x1] =	vst.idx.msk $0xffff, v3  }
0x35: {  	v59 =	vld [tilespmem:s21+$0xFFFFFFF0];
	[tilespmem:v0+s20+$0x20 ss:$0x1] =	vst.idx.msk $0xffff, v5  }
0x36: {  	s22 =	sshra.s32 s22, $0x2;
	v60 =	vld [tilespmem:s21+$0x0];
	[tilespmem:v0+s20+$0xFFFFFFC0 ss:$0x1] =	vst.idx.msk $0xffff, v2  }
0x37: {  	v61 =	vld [tilespmem:s21+$0x10];
	[tilespmem:v0+s22+$0x30 ss:$0x1] =	vst.idx.msk $0xffff, v4  }
0x38: {  	v62 =	vld [tilespmem:s21+$0x20];
	s19 =	sadd.s32 $0x1, s19;
	[tilespmem:v0+s22+$0xFFFFFFD0 ss:$0x1] =	vst.idx.msk $0xffff, v6  }
0x39: {  	v63 =	vld [tilespmem:s21+$0xFFFFFFC0];
	p0 =	sne.s32 s19, $0x4;
	[tilespmem:v0+s22+$0xFFFFFFE0 ss:$0x1] =	vst.idx.msk $0xffff, v58  }
.Ltmp4:
0x3a: {  	[tilespmem:v0+s22+$0xFFFFFFF0 ss:$0x1] =	vst.idx.msk $0xffff, v59;
	(pc) =	sbr.rel @p0 .LBB1_4-.Ltmp4, $4  }
0x3b: {  	[tilespmem:v0+s22+$0x0 ss:$0x1] =	vst.idx.msk $0xffff, v60  }
0x3c: {  	[tilespmem:v0+s22+$0x10 ss:$0x1] =	vst.idx.msk $0xffff, v61  }
0x3d: {  	[tilespmem:v0+s22+$0x20 ss:$0x1] =	vst.idx.msk $0xffff, v62  }
0x3e: {  	s18 =	sadd.s32 $0x400, s18;
	s17 =	sadd.s32 $0x80, s17;
	[tilespmem:v0+s22+$0xFFFFFFC0 ss:$0x1] =	vst.idx.msk $0xffff, v63  }
0x3f: {  	s16 =	sadd.s32 $0x1, s16  }
0x40: {  	p0 =	sne.s32 s16, $0x4  }
.Ltmp5:
0x41: {  	_ = 	snop;
	(pc) =	sbr.rel @p0 .LBB1_3-.Ltmp5, $2  }
0x42: {  	_ =	sdelay $0x2  }
0x43: {  	s13 =	sadd.s32 $0x1000, s13;
	s14 =	sadd.s32 $0x1000, s14  }
.Ltmp6:
0x44: {  	(pc) =	sbr.rel .LBB1_9-.Ltmp6, $4  }
0x45: {  	_ = 	snop  }
0x46: {  	s12 =	sshll.u32 s12, $0x9  }
0x47: {  	s12 =	sadd.s32 s4, s12  }
0x48: {  	[hbm4b:s12+s8] =	stream.linear.scatter [tilespmem:s15], [sflag:$0x2], $0x4000, $0x38;
	[tilespmem:$0x10000] =	vst v63  }
.LBB1_10:
0x49: {  	_ =	sfence.sel $0x180000  }
0x4a: {  	s2 =	simm.s32 $0x1;
	[bflag:$0x0] =	sbarrier.arrive $0xFFFF  }
0x4b: {  	s31 =	simm.s32 $0x2;
	[sflag:s2] =	ssyncpa.u1 $0x1  }
0x4c: {  	[sflag:s31] =	ssyncpa.u1 $0x1  }
0x4d: {  	p0 =	sne.s32 s0, $0x0;
	_ =	strace $0x90000047  }
0x4e: {  	s0 =	sadd.s32 @!p0 $0x100000, s1;
	[bflag:$0x2] =	sbarrier.arrive $0xFFFF  }
0x4f: {  	[sflag:s0] =	ssyncadd.tile.s32 @!p0 $0x1;
	_ =	shalt  }
.Lfunc_end1:
_tile_overlayer_lowered:
.L_overlay_start_2:
0x50: {  	(tag) =	ssettag $0x2  }
0x51: {  	s0 =	rddreg [dreg:$0x0];
	s2 =	stileid.u32  }
0x52: {  	s1 =	rddreg [dreg:$0x1];
	p0 =	sne.s32 s2, $0x0  }
0x53: {  	s3 =	rddreg [dreg:$0x2];
	[bflag:$0x3] =	sbarrier.arrive $0xFFFF;
	s2 =	simm.s32 @!p0 $0x1C01  }
0x54: {  	[timem:s3], [sflag:s2] =	dma.local @!p0 [hbm:s0], s1  }
0x55: {  	s0 =	simm.s32 @!p0 $0x1  }
0x56: {  	_ =	swait.ge @!p0 [sflag:s0], s1  }
0x57: {  	s1 =	ssub.s32 @!p0 $0x0, s1;
	[sflag:s0] =	ssyncset.done @!p0 $0x0  }
0x58: {  	[sflag:s0] =	ssyncadd.s32 @!p0 s1  }
0x59: {  	[bflag:$0x3] =	sbarrier.arrive $0xFFFF  }
0x5a: {  	_ =	shalt  }

</sc_bundles>
